<compile_context>
chip_gen: v7x
topology: tpu7x:2x2x1
jax: 0.10.2.dev20260603
libtpu: 0.0.44.dev20260713+nightly
codegen_flags: <defaults>
</compile_context>

<pallas_src>
import jax
import jax.numpy as jnp
from jax import lax
from jax.experimental import pallas as pl
from jax.experimental.pallas import tpu as pltpu
from jax.experimental.pallas import tpu_sc as plsc

MAX_BAR = 128
LEN_EMBED_DIM = 128
LENGTH_BUCKET_SIZE = 10
BATCH = 16384

_INFO = plsc.get_sparse_core_info()
_NC, _NS = _INFO.num_cores, _INFO.num_subcores
_NW = _NC * _NS
_BPW = BATCH // _NW
_CHUNK = 64
_NSTREAM = _BPW // _CHUNK
_GRP = _CHUNK // 16


def _sc_body(nbar_hbm, table_hbm, out_hbm, nbar_v, idx_v, table_sp, rows_v,
             gsems, osem, nsem):
    wid = lax.axis_index("s") * _NC + lax.axis_index("c")
    base = wid * _BPW
    ncp = pltpu.async_copy(nbar_hbm.at[pl.ds(base, _BPW)], nbar_v, nsem)

    @pl.when(lax.axis_index("s") == 0)
    def _():
        pltpu.sync_copy(table_hbm, table_sp)

    plsc.subcore_barrier()
    ncp.wait()
    div = jnp.float32(LENGTH_BUCKET_SIZE)
    gathers = []
    for j in range(_NSTREAM):
        for g in range(_GRP):
            v = nbar_v[pl.ds(j * _CHUNK + g * 16, 16)]
            b = (v.astype(jnp.float32) / div).astype(jnp.int32)
            idx_v[j, pl.ds(g * 16, 16)] = b
        gathers.append(
            pltpu.async_copy(
                table_sp.at[idx_v.at[j]],
                rows_v.at[pl.ds(j * _CHUNK, _CHUNK)],
                gsems.at[j],
            )
        )
    outs = []
    for j in range(_NSTREAM):
        gathers[j].wait()
        outs.append(
            pltpu.async_copy(
                rows_v.at[pl.ds(j * _CHUNK, _CHUNK)],
                out_hbm.at[pl.ds(base + j * _CHUNK, _CHUNK)],
                osem,
            )
        )
    for c in outs:
        c.wait()


@jax.jit
def kernel(n_bar, table):
    n_bar = n_bar.astype(jnp.int32)
    mesh = plsc.VectorSubcoreMesh(core_axis_name="c", subcore_axis_name="s")
    out = pl.kernel(
        _sc_body,
        mesh=mesh,
        out_type=jax.ShapeDtypeStruct((BATCH, LEN_EMBED_DIM), jnp.float32),
        scratch_types=[
            pltpu.VMEM((_BPW,), jnp.int32),
            pltpu.VMEM((_NSTREAM, _CHUNK), jnp.int32),
            pltpu.VMEM_SHARED((MAX_BAR, LEN_EMBED_DIM), jnp.float32),
            pltpu.VMEM((_BPW, LEN_EMBED_DIM), jnp.float32),
            pltpu.SemaphoreType.DMA((_NSTREAM,)),
            pltpu.SemaphoreType.DMA,
            pltpu.SemaphoreType.DMA,
        ],
    )(n_bar, table)
    return out[:, None, :]

# --- scband reference (transcript-rebuilt; emitter-appended) ---
"""Pipeline reference for scband-length-encoder-84052509983004 (READ-ONLY COPY).

The authoritative reference and input builder live on the scoring server;
editing this copy changes nothing except your own understanding.
"""

import jax, jax.numpy as jnp
import numpy as np

MAX_BAR = 128
LEN_EMBED_DIM = 128
LENGTH_BUCKET_SIZE = 10
BATCH = 16384

def setup_inputs(seed: int = 0) -> dict:
    key = jax.random.key(seed)
    k1, k2 = jax.random.split(key)
    n_bar = jax.random.randint(k1, (BATCH,), 0, 1279, dtype=jnp.int64 if jax.config.jax_enable_x64 else jnp.int32)
    table = jax.random.normal(k2, (MAX_BAR, LEN_EMBED_DIM), dtype=jnp.float32)
    return {"n_bar": n_bar, "table": table}

def reference(n_bar, table):
    # length_buckets = (n_bar / bucket_size).long()  -> truncation toward zero
    length_buckets = (n_bar.astype(jnp.float32) / LENGTH_BUCKET_SIZE).astype(jnp.int32)
    # embedding lookup -> gather rows
    length_embeds = jnp.take(table, length_buckets, axis=0)
    # unsqueeze(1)
    return length_embeds[:, None, :]

if __name__ == "__main__":
    import jax
    _d = setup_inputs()
    print(jax.jit(kernel)(*tuple(_d.values())))

</pallas_src>

<mosaic_0001>
#map = affine_map<(d0, d1) -> (0)>
#map1 = affine_map<(d0, d1) -> (0, 0)>
module attributes {stable_mosaic.version = 14 : i64} {
  func.func @_sc_body(%arg0: i32, %arg1: i32, %arg2: memref<16384xi32, #tpu.memory_space<hbm>>, %arg3: memref<128x128xf32, #tpu.memory_space<hbm>>, %arg4: memref<16384x128xf32, #tpu.memory_space<hbm>>, %arg5: memref<512xi32, #tpu.memory_space<vmem>>, %arg6: memref<8x64xi32, #tpu.memory_space<vmem>>, %arg7: memref<128x128xf32, #tpu.memory_space<vmem_shared>>, %arg8: memref<512x128xf32, #tpu.memory_space<vmem>>, %arg9: memref<8x!tpu.dma_semaphore, #tpu.memory_space<semaphore_mem>>, %arg10: memref<!tpu.dma_semaphore, #tpu.memory_space<semaphore_mem>>, %arg11: memref<!tpu.dma_semaphore, #tpu.memory_space<semaphore_mem>>) attributes {dimension_semantics = [#tpu.dimension_semantics<core_parallel>, #tpu.dimension_semantics<subcore_parallel>], iteration_bounds = array<i64: 2, 16>, scalar_prefetch = 0 : i64, scratch_operands = 7 : i64, tpu.core_type = #tpu.core_type<sc_vector_subcore>, window_params = [{transform_indices = #map}, {transform_indices = #map1}, {transform_indices = #map1}]} {
    %mul3A = arith.constant 2 : i32
    %mul3A_0 = arith.muli %arg1, %mul3A : i32
    %add3A = arith.addi %mul3A_0, %arg0 : i32
    %mul3A_1 = arith.constant 512 : i32
    %mul3A_2 = arith.muli %add3A, %mul3A_1 : i32
    %dma_start3A = tpu.memref_slice %arg2[%mul3A_2] : memref<16384xi32, #tpu.memory_space<hbm>> -> memref<512xi32, #tpu.memory_space<hbm>>
    %dma_start3A_3 = tpu.memref_slice %arg2[%mul3A_2] : memref<16384xi32, #tpu.memory_space<hbm>> -> memref<512xi32, #tpu.memory_space<hbm>>
    tpu.enqueue_dma source(%dma_start3A_3 : memref<512xi32, #tpu.memory_space<hbm>>) target(%arg5 : memref<512xi32, #tpu.memory_space<vmem>>) target_semaphore(%arg11 : memref<!tpu.dma_semaphore, #tpu.memory_space<semaphore_mem>>)
    %eq3A = arith.constant 0 : i32
    %eq3A_4 = arith.cmpi eq, %arg1, %eq3A : i32
    %convert_element_type3A = arith.extui %eq3A_4 : i1 to i32
    %cond3A = arith.constant 0 : i32
    %cond3A_5 = arith.cmpi ne, %convert_element_type3A, %cond3A : i32
    scf.if %cond3A_5 {
      "tpu.region"() ({
        %run_scoped3A = tpu.sem_alloc : memref<!tpu.dma_semaphore, #tpu.memory_space<semaphore_mem>>
        tpu.enqueue_dma source(%arg3 : memref<128x128xf32, #tpu.memory_space<hbm>>) target(%arg7 : memref<128x128xf32, #tpu.memory_space<vmem_shared>>) target_semaphore(%run_scoped3A : memref<!tpu.dma_semaphore, #tpu.memory_space<semaphore_mem>>)
        tpu.wait_dma2 semaphore(%run_scoped3A : memref<!tpu.dma_semaphore, #tpu.memory_space<semaphore_mem>>) src(%arg3 : memref<128x128xf32, #tpu.memory_space<hbm>>) dst(%arg7 : memref<128x128xf32, #tpu.memory_space<vmem_shared>>)
        tpu.yield
      }) : () -> ()
    } else {
    }
    %barrier3A = arith.constant 0 : index
    tpu.barrier barrier_id(%barrier3A)
    %dma_wait3A = tpu.memref_slice %arg2[%mul3A_2] : memref<16384xi32, #tpu.memory_space<hbm>> -> memref<512xi32, #tpu.memory_space<hbm>>
    %dma_wait3A_6 = tpu.memref_slice %arg2[%mul3A_2] : memref<16384xi32, #tpu.memory_space<hbm>> -> memref<512xi32, #tpu.memory_space<hbm>>
    tpu.wait_dma2 semaphore(%arg11 : memref<!tpu.dma_semaphore, #tpu.memory_space<semaphore_mem>>) src(%dma_wait3A_6 : memref<512xi32, #tpu.memory_space<hbm>>) dst(%arg5 : memref<512xi32, #tpu.memory_space<vmem>>)
    %get3A = arith.constant 0 : index
    %get3A_7 = tpu.vector_load %arg5[%get3A] {strides = array<i32>} : memref<512xi32, #tpu.memory_space<vmem>>, vector<16xi32>,
    %get3A_8 = vector.shape_cast %get3A_7 : vector<16xi32> to vector<16xi32>
    %convert_element_type3A_9 = arith.sitofp %get3A_8 : vector<16xi32> to vector<16xf32>
    %div3A = arith.constant 1.000000e+01 : f32
    %div3A_10 = vector.broadcast %div3A : f32 to vector<16xf32>
    %div3A_11 = arith.divf %convert_element_type3A_9, %div3A_10 : vector<16xf32>
    %convert_element_type3A_12 = arith.fptosi %div3A_11 : vector<16xf32> to vector<16xi32>
    %swap3A = arith.constant 0 : i32
    %swap3A_13 = arith.index_cast %swap3A : i32 to index
    %swap3A_14 = arith.constant 0 : index
    %swap3A_15 = tpu.vector_load %arg6[%swap3A_13, %swap3A_14] {strides = array<i32>} : memref<8x64xi32, #tpu.memory_space<vmem>>, vector<1x16xi32>,
    %swap3A_16 = vector.shape_cast %swap3A_15 : vector<1x16xi32> to vector<16xi32>
    %swap3A_17 = vector.shape_cast %convert_element_type3A_12 : vector<16xi32> to vector<1x16xi32>
    tpu.vector_store %arg6[%swap3A_13, %swap3A_14], %swap3A_17 {strides = array<i32>} : memref<8x64xi32, #tpu.memory_space<vmem>>, vector<1x16xi32>,
    %get3A_18 = arith.constant 16 : index
    %get3A_19 = tpu.vector_load %arg5[%get3A_18] {strides = array<i32>} : memref<512xi32, #tpu.memory_space<vmem>>, vector<16xi32>,
    %get3A_20 = vector.shape_cast %get3A_19 : vector<16xi32> to vector<16xi32>
    %convert_element_type3A_21 = arith.sitofp %get3A_20 : vector<16xi32> to vector<16xf32>
    %div3A_22 = arith.constant 1.000000e+01 : f32
    %div3A_23 = vector.broadcast %div3A_22 : f32 to vector<16xf32>
    %div3A_24 = arith.divf %convert_element_type3A_21, %div3A_23 : vector<16xf32>
    %convert_element_type3A_25 = arith.fptosi %div3A_24 : vector<16xf32> to vector<16xi32>
    %swap3A_26 = arith.constant 0 : i32
    %swap3A_27 = arith.index_cast %swap3A_26 : i32 to index
    %swap3A_28 = arith.constant 16 : index
    %swap3A_29 = tpu.vector_load %arg6[%swap3A_27, %swap3A_28] {strides = array<i32>} : memref<8x64xi32, #tpu.memory_space<vmem>>, vector<1x16xi32>,
    %swap3A_30 = vector.shape_cast %swap3A_29 : vector<1x16xi32> to vector<16xi32>
    %swap3A_31 = vector.shape_cast %convert_element_type3A_25 : vector<16xi32> to vector<1x16xi32>
    tpu.vector_store %arg6[%swap3A_27, %swap3A_28], %swap3A_31 {strides = array<i32>} : memref<8x64xi32, #tpu.memory_space<vmem>>, vector<1x16xi32>,
    %get3A_32 = arith.constant 32 : index
    %get3A_33 = tpu.vector_load %arg5[%get3A_32] {strides = array<i32>} : memref<512xi32, #tpu.memory_space<vmem>>, vector<16xi32>,
    %get3A_34 = vector.shape_cast %get3A_33 : vector<16xi32> to vector<16xi32>
    %convert_element_type3A_35 = arith.sitofp %get3A_34 : vector<16xi32> to vector<16xf32>
    %div3A_36 = arith.constant 1.000000e+01 : f32
    %div3A_37 = vector.broadcast %div3A_36 : f32 to vector<16xf32>
    %div3A_38 = arith.divf %convert_element_type3A_35, %div3A_37 : vector<16xf32>
    %convert_element_type3A_39 = arith.fptosi %div3A_38 : vector<16xf32> to vector<16xi32>
    %swap3A_40 = arith.constant 0 : i32
    %swap3A_41 = arith.index_cast %swap3A_40 : i32 to index
    %swap3A_42 = arith.constant 32 : index
    %swap3A_43 = tpu.vector_load %arg6[%swap3A_41, %swap3A_42] {strides = array<i32>} : memref<8x64xi32, #tpu.memory_space<vmem>>, vector<1x16xi32>,
    %swap3A_44 = vector.shape_cast %swap3A_43 : vector<1x16xi32> to vector<16xi32>
    %swap3A_45 = vector.shape_cast %convert_element_type3A_39 : vector<16xi32> to vector<1x16xi32>
    tpu.vector_store %arg6[%swap3A_41, %swap3A_42], %swap3A_45 {strides = array<i32>} : memref<8x64xi32, #tpu.memory_space<vmem>>, vector<1x16xi32>,
    %get3A_46 = arith.constant 48 : index
    %get3A_47 = tpu.vector_load %arg5[%get3A_46] {strides = array<i32>} : memref<512xi32, #tpu.memory_space<vmem>>, vector<16xi32>,
    %get3A_48 = vector.shape_cast %get3A_47 : vector<16xi32> to vector<16xi32>
    %convert_element_type3A_49 = arith.sitofp %get3A_48 : vector<16xi32> to vector<16xf32>
    %div3A_50 = arith.constant 1.000000e+01 : f32
    %div3A_51 = vector.broadcast %div3A_50 : f32 to vector<16xf32>
    %div3A_52 = arith.divf %convert_element_type3A_49, %div3A_51 : vector<16xf32>
    %convert_element_type3A_53 = arith.fptosi %div3A_52 : vector<16xf32> to vector<16xi32>
    %swap3A_54 = arith.constant 0 : i32
    %swap3A_55 = arith.index_cast %swap3A_54 : i32 to index
    %swap3A_56 = arith.constant 48 : index
    %swap3A_57 = tpu.vector_load %arg6[%swap3A_55, %swap3A_56] {strides = array<i32>} : memref<8x64xi32, #tpu.memory_space<vmem>>, vector<1x16xi32>,
    %swap3A_58 = vector.shape_cast %swap3A_57 : vector<1x16xi32> to vector<16xi32>
    %swap3A_59 = vector.shape_cast %convert_element_type3A_53 : vector<16xi32> to vector<1x16xi32>
    tpu.vector_store %arg6[%swap3A_55, %swap3A_56], %swap3A_59 {strides = array<i32>} : memref<8x64xi32, #tpu.memory_space<vmem>>, vector<1x16xi32>,
    %dma_start3A_60 = arith.constant 0 : i32
    %dma_start3A_61 = arith.constant 0 : i32
    %dma_start3A_62 = arith.constant 0 : i32
    %dma_start3A_63 = arith.constant 0 : i32
    %dma_start3A_64 = tpu.memref_slice %arg8[%dma_start3A_62, %dma_start3A_63] : memref<512x128xf32, #tpu.memory_space<vmem>> -> memref<64x128xf32, #tpu.memory_space<vmem>>
    %dma_start3A_65 = arith.constant 0 : i32
    %dma_start3A_66 = tpu.memref_slice %arg6[%dma_start3A_60, %dma_start3A_65] : memref<8x64xi32, #tpu.memory_space<vmem>> -> memref<1x64xi32, #tpu.memory_space<vmem>>
    %dma_start3A_67 = tpu.memref_squeeze %dma_start3A_66 : memref<1x64xi32, #tpu.memory_space<vmem>> -> memref<64xi32, #tpu.memory_space<vmem>>
    %dma_start3A_68 = arith.constant 0 : i32
    %dma_start3A_69 = arith.constant 0 : i32
    %dma_start3A_70 = tpu.memref_slice %arg7[%dma_start3A_68, %dma_start3A_69] : memref<128x128xf32, #tpu.memory_space<vmem_shared>> -> memref<128x128xf32, #tpu.memory_space<vmem_shared>>
    %dma_start3A_71 = tpu.memref_slice %arg9[%dma_start3A_61] : memref<8x!tpu.dma_semaphore, #tpu.memory_space<semaphore_mem>> -> memref<1x!tpu.dma_semaphore, #tpu.memory_space<semaphore_mem>>
    %dma_start3A_72 = tpu.memref_squeeze %dma_start3A_71 : memref<1x!tpu.dma_semaphore, #tpu.memory_space<semaphore_mem>> -> memref<!tpu.dma_semaphore, #tpu.memory_space<semaphore_mem>>
    tpu.enqueue_indirect_dma source(%dma_start3A_70 : memref<128x128xf32, #tpu.memory_space<vmem_shared>>) target(%dma_start3A_64 : memref<64x128xf32, #tpu.memory_space<vmem>>) offsets(%dma_start3A_67 : memref<64xi32, #tpu.memory_space<vmem>>) semaphore(%dma_start3A_72 : memref<!tpu.dma_semaphore, #tpu.memory_space<semaphore_mem>>)
    %get3A_73 = arith.constant 64 : index
    %get3A_74 = tpu.vector_load %arg5[%get3A_73] {strides = array<i32>} : memref<512xi32, #tpu.memory_space<vmem>>, vector<16xi32>,
    %get3A_75 = vector.shape_cast %get3A_74 : vector<16xi32> to vector<16xi32>
    %convert_element_type3A_76 = arith.sitofp %get3A_75 : vector<16xi32> to vector<16xf32>
    %div3A_77 = arith.constant 1.000000e+01 : f32
    %div3A_78 = vector.broadcast %div3A_77 : f32 to vector<16xf32>
    %div3A_79 = arith.divf %convert_element_type3A_76, %div3A_78 : vector<16xf32>
    %convert_element_type3A_80 = arith.fptosi %div3A_79 : vector<16xf32> to vector<16xi32>
    %swap3A_81 = arith.constant 1 : i32
    %swap3A_82 = arith.index_cast %swap3A_81 : i32 to index
    %swap3A_83 = arith.constant 0 : index
    %swap3A_84 = tpu.vector_load %arg6[%swap3A_82, %swap3A_83] {strides = array<i32>} : memref<8x64xi32, #tpu.memory_space<vmem>>, vector<1x16xi32>,
    %swap3A_85 = vector.shape_cast %swap3A_84 : vector<1x16xi32> to vector<16xi32>
    %swap3A_86 = vector.shape_cast %convert_element_type3A_80 : vector<16xi32> to vector<1x16xi32>
    tpu.vector_store %arg6[%swap3A_82, %swap3A_83], %swap3A_86 {strides = array<i32>} : memref<8x64xi32, #tpu.memory_space<vmem>>, vector<1x16xi32>,
    %get3A_87 = arith.constant 80 : index
    %get3A_88 = tpu.vector_load %arg5[%get3A_87] {strides = array<i32>} : memref<512xi32, #tpu.memory_space<vmem>>, vector<16xi32>,
    %get3A_89 = vector.shape_cast %get3A_88 : vector<16xi32> to vector<16xi32>
    %convert_element_type3A_90 = arith.sitofp %get3A_89 : vector<16xi32> to vector<16xf32>
    %div3A_91 = arith.constant 1.000000e+01 : f32
    %div3A_92 = vector.broadcast %div3A_91 : f32 to vector<16xf32>
    %div3A_93 = arith.divf %convert_element_type3A_90, %div3A_92 : vector<16xf32>
    %convert_element_type3A_94 = arith.fptosi %div3A_93 : vector<16xf32> to vector<16xi32>
    %swap3A_95 = arith.constant 1 : i32
    %swap3A_96 = arith.index_cast %swap3A_95 : i32 to index
    %swap3A_97 = arith.constant 16 : index
    %swap3A_98 = tpu.vector_load %arg6[%swap3A_96, %swap3A_97] {strides = array<i32>} : memref<8x64xi32, #tpu.memory_space<vmem>>, vector<1x16xi32>,
    %swap3A_99 = vector.shape_cast %swap3A_98 : vector<1x16xi32> to vector<16xi32>
    %swap3A_100 = vector.shape_cast %convert_element_type3A_94 : vector<16xi32> to vector<1x16xi32>
    tpu.vector_store %arg6[%swap3A_96, %swap3A_97], %swap3A_100 {strides = array<i32>} : memref<8x64xi32, #tpu.memory_space<vmem>>, vector<1x16xi32>,
    %get3A_101 = arith.constant 96 : index
    %get3A_102 = tpu.vector_load %arg5[%get3A_101] {strides = array<i32>} : memref<512xi32, #tpu.memory_space<vmem>>, vector<16xi32>,
    %get3A_103 = vector.shape_cast %get3A_102 : vector<16xi32> to vector<16xi32>
    %convert_element_type3A_104 = arith.sitofp %get3A_103 : vector<16xi32> to vector<16xf32>
    %div3A_105 = arith.constant 1.000000e+01 : f32
    %div3A_106 = vector.broadcast %div3A_105 : f32 to vector<16xf32>
    %div3A_107 = arith.divf %convert_element_type3A_104, %div3A_106 : vector<16xf32>
    %convert_element_type3A_108 = arith.fptosi %div3A_107 : vector<16xf32> to vector<16xi32>
    %swap3A_109 = arith.constant 1 : i32
    %swap3A_110 = arith.index_cast %swap3A_109 : i32 to index
    %swap3A_111 = arith.constant 32 : index
    %swap3A_112 = tpu.vector_load %arg6[%swap3A_110, %swap3A_111] {strides = array<i32>} : memref<8x64xi32, #tpu.memory_space<vmem>>, vector<1x16xi32>,
    %swap3A_113 = vector.shape_cast %swap3A_112 : vector<1x16xi32> to vector<16xi32>
    %swap3A_114 = vector.shape_cast %convert_element_type3A_108 : vector<16xi32> to vector<1x16xi32>
    tpu.vector_store %arg6[%swap3A_110, %swap3A_111], %swap3A_114 {strides = array<i32>} : memref<8x64xi32, #tpu.memory_space<vmem>>, vector<1x16xi32>,
    %get3A_115 = arith.constant 112 : index
    %get3A_116 = tpu.vector_load %arg5[%get3A_115] {strides = array<i32>} : memref<512xi32, #tpu.memory_space<vmem>>, vector<16xi32>,
    %get3A_117 = vector.shape_cast %get3A_116 : vector<16xi32> to vector<16xi32>
    %convert_element_type3A_118 = arith.sitofp %get3A_117 : vector<16xi32> to vector<16xf32>
    %div3A_119 = arith.constant 1.000000e+01 : f32
    %div3A_120 = vector.broadcast %div3A_119 : f32 to vector<16xf32>
    %div3A_121 = arith.divf %convert_element_type3A_118, %div3A_120 : vector<16xf32>
    %convert_element_type3A_122 = arith.fptosi %div3A_121 : vector<16xf32> to vector<16xi32>
    %swap3A_123 = arith.constant 1 : i32
    %swap3A_124 = arith.index_cast %swap3A_123 : i32 to index
    %swap3A_125 = arith.constant 48 : index
    %swap3A_126 = tpu.vector_load %arg6[%swap3A_124, %swap3A_125] {strides = array<i32>} : memref<8x64xi32, #tpu.memory_space<vmem>>, vector<1x16xi32>,
    %swap3A_127 = vector.shape_cast %swap3A_126 : vector<1x16xi32> to vector<16xi32>
    %swap3A_128 = vector.shape_cast %convert_element_type3A_122 : vector<16xi32> to vector<1x16xi32>
    tpu.vector_store %arg6[%swap3A_124, %swap3A_125], %swap3A_128 {strides = array<i32>} : memref<8x64xi32, #tpu.memory_space<vmem>>, vector<1x16xi32>,
    %dma_start3A_129 = arith.constant 1 : i32
    %dma_start3A_130 = arith.constant 1 : i32
    %dma_start3A_131 = arith.constant 64 : i32
    %dma_start3A_132 = arith.constant 0 : i32
    %dma_start3A_133 = tpu.memref_slice %arg8[%dma_start3A_131, %dma_start3A_132] : memref<512x128xf32, #tpu.memory_space<vmem>> -> memref<64x128xf32, #tpu.memory_space<vmem>>
    %dma_start3A_134 = arith.constant 0 : i32
    %dma_start3A_135 = tpu.memref_slice %arg6[%dma_start3A_129, %dma_start3A_134] : memref<8x64xi32, #tpu.memory_space<vmem>> -> memref<1x64xi32, #tpu.memory_space<vmem>>
    %dma_start3A_136 = tpu.memref_squeeze %dma_start3A_135 : memref<1x64xi32, #tpu.memory_space<vmem>> -> memref<64xi32, #tpu.memory_space<vmem>>
    %dma_start3A_137 = arith.constant 0 : i32
    %dma_start3A_138 = arith.constant 0 : i32
    %dma_start3A_139 = tpu.memref_slice %arg7[%dma_start3A_137, %dma_start3A_138] : memref<128x128xf32, #tpu.memory_space<vmem_shared>> -> memref<128x128xf32, #tpu.memory_space<vmem_shared>>
    %dma_start3A_140 = tpu.memref_slice %arg9[%dma_start3A_130] : memref<8x!tpu.dma_semaphore, #tpu.memory_space<semaphore_mem>> -> memref<1x!tpu.dma_semaphore, #tpu.memory_space<semaphore_mem>>
    %dma_start3A_141 = tpu.memref_squeeze %dma_start3A_140 : memref<1x!tpu.dma_semaphore, #tpu.memory_space<semaphore_mem>> -> memref<!tpu.dma_semaphore, #tpu.memory_space<semaphore_mem>>
    tpu.enqueue_indirect_dma source(%dma_start3A_139 : memref<128x128xf32, #tpu.memory_space<vmem_shared>>) target(%dma_start3A_133 : memref<64x128xf32, #tpu.memory_space<vmem>>) offsets(%dma_start3A_136 : memref<64xi32, #tpu.memory_space<vmem>>) semaphore(%dma_start3A_141 : memref<!tpu.dma_semaphore, #tpu.memory_space<semaphore_mem>>)
    %get3A_142 = arith.constant 128 : index
    %get3A_143 = tpu.vector_load %arg5[%get3A_142] {strides = array<i32>} : memref<512xi32, #tpu.memory_space<vmem>>, vector<16xi32>,
    %get3A_144 = vector.shape_cast %get3A_143 : vector<16xi32> to vector<16xi32>
    %convert_element_type3A_145 = arith.sitofp %get3A_144 : vector<16xi32> to vector<16xf32>
    %div3A_146 = arith.constant 1.000000e+01 : f32
    %div3A_147 = vector.broadcast %div3A_146 : f32 to vector<16xf32>
    %div3A_148 = arith.divf %convert_element_type3A_145, %div3A_147 : vector<16xf32>
    %convert_element_type3A_149 = arith.fptosi %div3A_148 : vector<16xf32> to vector<16xi32>
    %swap3A_150 = arith.constant 2 : i32
    %swap3A_151 = arith.index_cast %swap3A_150 : i32 to index
    %swap3A_152 = arith.constant 0 : index
    %swap3A_153 = tpu.vector_load %arg6[%swap3A_151, %swap3A_152] {strides = array<i32>} : memref<8x64xi32, #tpu.memory_space<vmem>>, vector<1x16xi32>,
    %swap3A_154 = vector.shape_cast %swap3A_153 : vector<1x16xi32> to vector<16xi32>
    %swap3A_155 = vector.shape_cast %convert_element_type3A_149 : vector<16xi32> to vector<1x16xi32>
    tpu.vector_store %arg6[%swap3A_151, %swap3A_152], %swap3A_155 {strides = array<i32>} : memref<8x64xi32, #tpu.memory_space<vmem>>, vector<1x16xi32>,
    %get3A_156 = arith.constant 144 : index
    %get3A_157 = tpu.vector_load %arg5[%get3A_156] {strides = array<i32>} : memref<512xi32, #tpu.memory_space<vmem>>, vector<16xi32>,
    %get3A_158 = vector.shape_cast %get3A_157 : vector<16xi32> to vector<16xi32>
    %convert_element_type3A_159 = arith.sitofp %get3A_158 : vector<16xi32> to vector<16xf32>
    %div3A_160 = arith.constant 1.000000e+01 : f32
    %div3A_161 = vector.broadcast %div3A_160 : f32 to vector<16xf32>
    %div3A_162 = arith.divf %convert_element_type3A_159, %div3A_161 : vector<16xf32>
    %convert_element_type3A_163 = arith.fptosi %div3A_162 : vector<16xf32> to vector<16xi32>
    %swap3A_164 = arith.constant 2 : i32
    %swap3A_165 = arith.index_cast %swap3A_164 : i32 to index
    %swap3A_166 = arith.constant 16 : index
    %swap3A_167 = tpu.vector_load %arg6[%swap3A_165, %swap3A_166] {strides = array<i32>} : memref<8x64xi32, #tpu.memory_space<vmem>>, vector<1x16xi32>,
    %swap3A_168 = vector.shape_cast %swap3A_167 : vector<1x16xi32> to vector<16xi32>
    %swap3A_169 = vector.shape_cast %convert_element_type3A_163 : vector<16xi32> to vector<1x16xi32>
    tpu.vector_store %arg6[%swap3A_165, %swap3A_166], %swap3A_169 {strides = array<i32>} : memref<8x64xi32, #tpu.memory_space<vmem>>, vector<1x16xi32>,
    %get3A_170 = arith.constant 160 : index
    %get3A_171 = tpu.vector_load %arg5[%get3A_170] {strides = array<i32>} : memref<512xi32, #tpu.memory_space<vmem>>, vector<16xi32>,
    %get3A_172 = vector.shape_cast %get3A_171 : vector<16xi32> to vector<16xi32>
    %convert_element_type3A_173 = arith.sitofp %get3A_172 : vector<16xi32> to vector<16xf32>
    %div3A_174 = arith.constant 1.000000e+01 : f32
    %div3A_175 = vector.broadcast %div3A_174 : f32 to vector<16xf32>
    %div3A_176 = arith.divf %convert_element_type3A_173, %div3A_175 : vector<16xf32>
    %convert_element_type3A_177 = arith.fptosi %div3A_176 : vector<16xf32> to vector<16xi32>
    %swap3A_178 = arith.constant 2 : i32
    %swap3A_179 = arith.index_cast %swap3A_178 : i32 to index
    %swap3A_180 = arith.constant 32 : index
    %swap3A_181 = tpu.vector_load %arg6[%swap3A_179, %swap3A_180] {strides = array<i32>} : memref<8x64xi32, #tpu.memory_space<vmem>>, vector<1x16xi32>,
    %swap3A_182 = vector.shape_cast %swap3A_181 : vector<1x16xi32> to vector<16xi32>
    %swap3A_183 = vector.shape_cast %convert_element_type3A_177 : vector<16xi32> to vector<1x16xi32>
    tpu.vector_store %arg6[%swap3A_179, %swap3A_180], %swap3A_183 {strides = array<i32>} : memref<8x64xi32, #tpu.memory_space<vmem>>, vector<1x16xi32>,
    %get3A_184 = arith.constant 176 : index
    %get3A_185 = tpu.vector_load %arg5[%get3A_184] {strides = array<i32>} : memref<512xi32, #tpu.memory_space<vmem>>, vector<16xi32>,
    %get3A_186 = vector.shape_cast %get3A_185 : vector<16xi32> to vector<16xi32>
    %convert_element_type3A_187 = arith.sitofp %get3A_186 : vector<16xi32> to vector<16xf32>
    %div3A_188 = arith.constant 1.000000e+01 : f32
    %div3A_189 = vector.broadcast %div3A_188 : f32 to vector<16xf32>
    %div3A_190 = arith.divf %convert_element_type3A_187, %div3A_189 : vector<16xf32>
    %convert_element_type3A_191 = arith.fptosi %div3A_190 : vector<16xf32> to vector<16xi32>
    %swap3A_192 = arith.constant 2 : i32
    %swap3A_193 = arith.index_cast %swap3A_192 : i32 to index
    %swap3A_194 = arith.constant 48 : index
    %swap3A_195 = tpu.vector_load %arg6[%swap3A_193, %swap3A_194] {strides = array<i32>} : memref<8x64xi32, #tpu.memory_space<vmem>>, vector<1x16xi32>,
    %swap3A_196 = vector.shape_cast %swap3A_195 : vector<1x16xi32> to vector<16xi32>
    %swap3A_197 = vector.shape_cast %convert_element_type3A_191 : vector<16xi32> to vector<1x16xi32>
    tpu.vector_store %arg6[%swap3A_193, %swap3A_194], %swap3A_197 {strides = array<i32>} : memref<8x64xi32, #tpu.memory_space<vmem>>, vector<1x16xi32>,
    %dma_start3A_198 = arith.constant 2 : i32
    %dma_start3A_199 = arith.constant 2 : i32
    %dma_start3A_200 = arith.constant 128 : i32
    %dma_start3A_201 = arith.constant 0 : i32
    %dma_start3A_202 = tpu.memref_slice %arg8[%dma_start3A_200, %dma_start3A_201] : memref<512x128xf32, #tpu.memory_space<vmem>> -> memref<64x128xf32, #tpu.memory_space<vmem>>
    %dma_start3A_203 = arith.constant 0 : i32
    %dma_start3A_204 = tpu.memref_slice %arg6[%dma_start3A_198, %dma_start3A_203] : memref<8x64xi32, #tpu.memory_space<vmem>> -> memref<1x64xi32, #tpu.memory_space<vmem>>
    %dma_start3A_205 = tpu.memref_squeeze %dma_start3A_204 : memref<1x64xi32, #tpu.memory_space<vmem>> -> memref<64xi32, #tpu.memory_space<vmem>>
    %dma_start3A_206 = arith.constant 0 : i32
    %dma_start3A_207 = arith.constant 0 : i32
    %dma_start3A_208 = tpu.memref_slice %arg7[%dma_start3A_206, %dma_start3A_207] : memref<128x128xf32, #tpu.memory_space<vmem_shared>> -> memref<128x128xf32, #tpu.memory_space<vmem_shared>>
    %dma_start3A_209 = tpu.memref_slice %arg9[%dma_start3A_199] : memref<8x!tpu.dma_semaphore, #tpu.memory_space<semaphore_mem>> -> memref<1x!tpu.dma_semaphore, #tpu.memory_space<semaphore_mem>>
    %dma_start3A_210 = tpu.memref_squeeze %dma_start3A_209 : memref<1x!tpu.dma_semaphore, #tpu.memory_space<semaphore_mem>> -> memref<!tpu.dma_semaphore, #tpu.memory_space<semaphore_mem>>
    tpu.enqueue_indirect_dma source(%dma_start3A_208 : memref<128x128xf32, #tpu.memory_space<vmem_shared>>) target(%dma_start3A_202 : memref<64x128xf32, #tpu.memory_space<vmem>>) offsets(%dma_start3A_205 : memref<64xi32, #tpu.memory_space<vmem>>) semaphore(%dma_start3A_210 : memref<!tpu.dma_semaphore, #tpu.memory_space<semaphore_mem>>)
    %get3A_211 = arith.constant 192 : index
    %get3A_212 = tpu.vector_load %arg5[%get3A_211] {strides = array<i32>} : memref<512xi32, #tpu.memory_space<vmem>>, vector<16xi32>,
    %get3A_213 = vector.shape_cast %get3A_212 : vector<16xi32> to vector<16xi32>
    %convert_element_type3A_214 = arith.sitofp %get3A_213 : vector<16xi32> to vector<16xf32>
    %div3A_215 = arith.constant 1.000000e+01 : f32
    %div3A_216 = vector.broadcast %div3A_215 : f32 to vector<16xf32>
    %div3A_217 = arith.divf %convert_element_type3A_214, %div3A_216 : vector<16xf32>
    %convert_element_type3A_218 = arith.fptosi %div3A_217 : vector<16xf32> to vector<16xi32>
    %swap3A_219 = arith.constant 3 : i32
    %swap3A_220 = arith.index_cast %swap3A_219 : i32 to index
    %swap3A_221 = arith.constant 0 : index
    %swap3A_222 = tpu.vector_load %arg6[%swap3A_220, %swap3A_221] {strides = array<i32>} : memref<8x64xi32, #tpu.memory_space<vmem>>, vector<1x16xi32>,
    %swap3A_223 = vector.shape_cast %swap3A_222 : vector<1x16xi32> to vector<16xi32>
    %swap3A_224 = vector.shape_cast %convert_element_type3A_218 : vector<16xi32> to vector<1x16xi32>
    tpu.vector_store %arg6[%swap3A_220, %swap3A_221], %swap3A_224 {strides = array<i32>} : memref<8x64xi32, #tpu.memory_space<vmem>>, vector<1x16xi32>,
    %get3A_225 = arith.constant 208 : index
    %get3A_226 = tpu.vector_load %arg5[%get3A_225] {strides = array<i32>} : memref<512xi32, #tpu.memory_space<vmem>>, vector<16xi32>,
    %get3A_227 = vector.shape_cast %get3A_226 : vector<16xi32> to vector<16xi32>
    %convert_element_type3A_228 = arith.sitofp %get3A_227 : vector<16xi32> to vector<16xf32>
    %div3A_229 = arith.constant 1.000000e+01 : f32
    %div3A_230 = vector.broadcast %div3A_229 : f32 to vector<16xf32>
    %div3A_231 = arith.divf %convert_element_type3A_228, %div3A_230 : vector<16xf32>
    %convert_element_type3A_232 = arith.fptosi %div3A_231 : vector<16xf32> to vector<16xi32>
    %swap3A_233 = arith.constant 3 : i32
    %swap3A_234 = arith.index_cast %swap3A_233 : i32 to index
    %swap3A_235 = arith.constant 16 : index
    %swap3A_236 = tpu.vector_load %arg6[%swap3A_234, %swap3A_235] {strides = array<i32>} : memref<8x64xi32, #tpu.memory_space<vmem>>, vector<1x16xi32>,
    %swap3A_237 = vector.shape_cast %swap3A_236 : vector<1x16xi32> to vector<16xi32>
    %swap3A_238 = vector.shape_cast %convert_element_type3A_232 : vector<16xi32> to vector<1x16xi32>
    tpu.vector_store %arg6[%swap3A_234, %swap3A_235], %swap3A_238 {strides = array<i32>} : memref<8x64xi32, #tpu.memory_space<vmem>>, vector<1x16xi32>,
    %get3A_239 = arith.constant 224 : index
    %get3A_240 = tpu.vector_load %arg5[%get3A_239] {strides = array<i32>} : memref<512xi32, #tpu.memory_space<vmem>>, vector<16xi32>,
    %get3A_241 = vector.shape_cast %get3A_240 : vector<16xi32> to vector<16xi32>
    %convert_element_type3A_242 = arith.sitofp %get3A_241 : vector<16xi32> to vector<16xf32>
    %div3A_243 = arith.constant 1.000000e+01 : f32
    %div3A_244 = vector.broadcast %div3A_243 : f32 to vector<16xf32>
    %div3A_245 = arith.divf %convert_element_type3A_242, %div3A_244 : vector<16xf32>
    %convert_element_type3A_246 = arith.fptosi %div3A_245 : vector<16xf32> to vector<16xi32>
    %swap3A_247 = arith.constant 3 : i32
    %swap3A_248 = arith.index_cast %swap3A_247 : i32 to index
    %swap3A_249 = arith.constant 32 : index
    %swap3A_250 = tpu.vector_load %arg6[%swap3A_248, %swap3A_249] {strides = array<i32>} : memref<8x64xi32, #tpu.memory_space<vmem>>, vector<1x16xi32>,
    %swap3A_251 = vector.shape_cast %swap3A_250 : vector<1x16xi32> to vector<16xi32>
    %swap3A_252 = vector.shape_cast %convert_element_type3A_246 : vector<16xi32> to vector<1x16xi32>
    tpu.vector_store %arg6[%swap3A_248, %swap3A_249], %swap3A_252 {strides = array<i32>} : memref<8x64xi32, #tpu.memory_space<vmem>>, vector<1x16xi32>,
    %get3A_253 = arith.constant 240 : index
    %get3A_254 = tpu.vector_load %arg5[%get3A_253] {strides = array<i32>} : memref<512xi32, #tpu.memory_space<vmem>>, vector<16xi32>,
    %get3A_255 = vector.shape_cast %get3A_254 : vector<16xi32> to vector<16xi32>
    %convert_element_type3A_256 = arith.sitofp %get3A_255 : vector<16xi32> to vector<16xf32>
    %div3A_257 = arith.constant 1.000000e+01 : f32
    %div3A_258 = vector.broadcast %div3A_257 : f32 to vector<16xf32>
    %div3A_259 = arith.divf %convert_element_type3A_256, %div3A_258 : vector<16xf32>
    %convert_element_type3A_260 = arith.fptosi %div3A_259 : vector<16xf32> to vector<16xi32>
    %swap3A_261 = arith.constant 3 : i32
    %swap3A_262 = arith.index_cast %swap3A_261 : i32 to index
    %swap3A_263 = arith.constant 48 : index
    %swap3A_264 = tpu.vector_load %arg6[%swap3A_262, %swap3A_263] {strides = array<i32>} : memref<8x64xi32, #tpu.memory_space<vmem>>, vector<1x16xi32>,
    %swap3A_265 = vector.shape_cast %swap3A_264 : vector<1x16xi32> to vector<16xi32>
    %swap3A_266 = vector.shape_cast %convert_element_type3A_260 : vector<16xi32> to vector<1x16xi32>
    tpu.vector_store %arg6[%swap3A_262, %swap3A_263], %swap3A_266 {strides = array<i32>} : memref<8x64xi32, #tpu.memory_space<vmem>>, vector<1x16xi32>,
    %dma_start3A_267 = arith.constant 3 : i32
    %dma_start3A_268 = arith.constant 3 : i32
    %dma_start3A_269 = arith.constant 192 : i32
    %dma_start3A_270 = arith.constant 0 : i32
    %dma_start3A_271 = tpu.memref_slice %arg8[%dma_start3A_269, %dma_start3A_270] : memref<512x128xf32, #tpu.memory_space<vmem>> -> memref<64x128xf32, #tpu.memory_space<vmem>>
    %dma_start3A_272 = arith.constant 0 : i32
    %dma_start3A_273 = tpu.memref_slice %arg6[%dma_start3A_267, %dma_start3A_272] : memref<8x64xi32, #tpu.memory_space<vmem>> -> memref<1x64xi32, #tpu.memory_space<vmem>>
    %dma_start3A_274 = tpu.memref_squeeze %dma_start3A_273 : memref<1x64xi32, #tpu.memory_space<vmem>> -> memref<64xi32, #tpu.memory_space<vmem>>
    %dma_start3A_275 = arith.constant 0 : i32
    %dma_start3A_276 = arith.constant 0 : i32
    %dma_start3A_277 = tpu.memref_slice %arg7[%dma_start3A_275, %dma_start3A_276] : memref<128x128xf32, #tpu.memory_space<vmem_shared>> -> memref<128x128xf32, #tpu.memory_space<vmem_shared>>
    %dma_start3A_278 = tpu.memref_slice %arg9[%dma_start3A_268] : memref<8x!tpu.dma_semaphore, #tpu.memory_space<semaphore_mem>> -> memref<1x!tpu.dma_semaphore, #tpu.memory_space<semaphore_mem>>
    %dma_start3A_279 = tpu.memref_squeeze %dma_start3A_278 : memref<1x!tpu.dma_semaphore, #tpu.memory_space<semaphore_mem>> -> memref<!tpu.dma_semaphore, #tpu.memory_space<semaphore_mem>>
    tpu.enqueue_indirect_dma source(%dma_start3A_277 : memref<128x128xf32, #tpu.memory_space<vmem_shared>>) target(%dma_start3A_271 : memref<64x128xf32, #tpu.memory_space<vmem>>) offsets(%dma_start3A_274 : memref<64xi32, #tpu.memory_space<vmem>>) semaphore(%dma_start3A_279 : memref<!tpu.dma_semaphore, #tpu.memory_space<semaphore_mem>>)
    %get3A_280 = arith.constant 256 : index
    %get3A_281 = tpu.vector_load %arg5[%get3A_280] {strides = array<i32>} : memref<512xi32, #tpu.memory_space<vmem>>, vector<16xi32>,
    %get3A_282 = vector.shape_cast %get3A_281 : vector<16xi32> to vector<16xi32>
    %convert_element_type3A_283 = arith.sitofp %get3A_282 : vector<16xi32> to vector<16xf32>
    %div3A_284 = arith.constant 1.000000e+01 : f32
    %div3A_285 = vector.broadcast %div3A_284 : f32 to vector<16xf32>
    %div3A_286 = arith.divf %convert_element_type3A_283, %div3A_285 : vector<16xf32>
    %convert_element_type3A_287 = arith.fptosi %div3A_286 : vector<16xf32> to vector<16xi32>
    %swap3A_288 = arith.constant 4 : i32
    %swap3A_289 = arith.index_cast %swap3A_288 : i32 to index
    %swap3A_290 = arith.constant 0 : index
    %swap3A_291 = tpu.vector_load %arg6[%swap3A_289, %swap3A_290] {strides = array<i32>} : memref<8x64xi32, #tpu.memory_space<vmem>>, vector<1x16xi32>,
    %swap3A_292 = vector.shape_cast %swap3A_291 : vector<1x16xi32> to vector<16xi32>
    %swap3A_293 = vector.shape_cast %convert_element_type3A_287 : vector<16xi32> to vector<1x16xi32>
    tpu.vector_store %arg6[%swap3A_289, %swap3A_290], %swap3A_293 {strides = array<i32>} : memref<8x64xi32, #tpu.memory_space<vmem>>, vector<1x16xi32>,
    %get3A_294 = arith.constant 272 : index
    %get3A_295 = tpu.vector_load %arg5[%get3A_294] {strides = array<i32>} : memref<512xi32, #tpu.memory_space<vmem>>, vector<16xi32>,
    %get3A_296 = vector.shape_cast %get3A_295 : vector<16xi32> to vector<16xi32>
    %convert_element_type3A_297 = arith.sitofp %get3A_296 : vector<16xi32> to vector<16xf32>
    %div3A_298 = arith.constant 1.000000e+01 : f32
    %div3A_299 = vector.broadcast %div3A_298 : f32 to vector<16xf32>
    %div3A_300 = arith.divf %convert_element_type3A_297, %div3A_299 : vector<16xf32>
    %convert_element_type3A_301 = arith.fptosi %div3A_300 : vector<16xf32> to vector<16xi32>
    %swap3A_302 = arith.constant 4 : i32
    %swap3A_303 = arith.index_cast %swap3A_302 : i32 to index
    %swap3A_304 = arith.constant 16 : index
    %swap3A_305 = tpu.vector_load %arg6[%swap3A_303, %swap3A_304] {strides = array<i32>} : memref<8x64xi32, #tpu.memory_space<vmem>>, vector<1x16xi32>,
    %swap3A_306 = vector.shape_cast %swap3A_305 : vector<1x16xi32> to vector<16xi32>
    %swap3A_307 = vector.shape_cast %convert_element_type3A_301 : vector<16xi32> to vector<1x16xi32>
    tpu.vector_store %arg6[%swap3A_303, %swap3A_304], %swap3A_307 {strides = array<i32>} : memref<8x64xi32, #tpu.memory_space<vmem>>, vector<1x16xi32>,
    %get3A_308 = arith.constant 288 : index
    %get3A_309 = tpu.vector_load %arg5[%get3A_308] {strides = array<i32>} : memref<512xi32, #tpu.memory_space<vmem>>, vector<16xi32>,
    %get3A_310 = vector.shape_cast %get3A_309 : vector<16xi32> to vector<16xi32>
    %convert_element_type3A_311 = arith.sitofp %get3A_310 : vector<16xi32> to vector<16xf32>
    %div3A_312 = arith.constant 1.000000e+01 : f32
    %div3A_313 = vector.broadcast %div3A_312 : f32 to vector<16xf32>
    %div3A_314 = arith.divf %convert_element_type3A_311, %div3A_313 : vector<16xf32>
    %convert_element_type3A_315 = arith.fptosi %div3A_314 : vector<16xf32> to vector<16xi32>
    %swap3A_316 = arith.constant 4 : i32
    %swap3A_317 = arith.index_cast %swap3A_316 : i32 to index
    %swap3A_318 = arith.constant 32 : index
    %swap3A_319 = tpu.vector_load %arg6[%swap3A_317, %swap3A_318] {strides = array<i32>} : memref<8x64xi32, #tpu.memory_space<vmem>>, vector<1x16xi32>,
    %swap3A_320 = vector.shape_cast %swap3A_319 : vector<1x16xi32> to vector<16xi32>
    %swap3A_321 = vector.shape_cast %convert_element_type3A_315 : vector<16xi32> to vector<1x16xi32>
    tpu.vector_store %arg6[%swap3A_317, %swap3A_318], %swap3A_321 {strides = array<i32>} : memref<8x64xi32, #tpu.memory_space<vmem>>, vector<1x16xi32>,
    %get3A_322 = arith.constant 304 : index
    %get3A_323 = tpu.vector_load %arg5[%get3A_322] {strides = array<i32>} : memref<512xi32, #tpu.memory_space<vmem>>, vector<16xi32>,
    %get3A_324 = vector.shape_cast %get3A_323 : vector<16xi32> to vector<16xi32>
    %convert_element_type3A_325 = arith.sitofp %get3A_324 : vector<16xi32> to vector<16xf32>
    %div3A_326 = arith.constant 1.000000e+01 : f32
    %div3A_327 = vector.broadcast %div3A_326 : f32 to vector<16xf32>
    %div3A_328 = arith.divf %convert_element_type3A_325, %div3A_327 : vector<16xf32>
    %convert_element_type3A_329 = arith.fptosi %div3A_328 : vector<16xf32> to vector<16xi32>
    %swap3A_330 = arith.constant 4 : i32
    %swap3A_331 = arith.index_cast %swap3A_330 : i32 to index
    %swap3A_332 = arith.constant 48 : index
    %swap3A_333 = tpu.vector_load %arg6[%swap3A_331, %swap3A_332] {strides = array<i32>} : memref<8x64xi32, #tpu.memory_space<vmem>>, vector<1x16xi32>,
    %swap3A_334 = vector.shape_cast %swap3A_333 : vector<1x16xi32> to vector<16xi32>
    %swap3A_335 = vector.shape_cast %convert_element_type3A_329 : vector<16xi32> to vector<1x16xi32>
    tpu.vector_store %arg6[%swap3A_331, %swap3A_332], %swap3A_335 {strides = array<i32>} : memref<8x64xi32, #tpu.memory_space<vmem>>, vector<1x16xi32>,
    %dma_start3A_336 = arith.constant 4 : i32
    %dma_start3A_337 = arith.constant 4 : i32
    %dma_start3A_338 = arith.constant 256 : i32
    %dma_start3A_339 = arith.constant 0 : i32
    %dma_start3A_340 = tpu.memref_slice %arg8[%dma_start3A_338, %dma_start3A_339] : memref<512x128xf32, #tpu.memory_space<vmem>> -> memref<64x128xf32, #tpu.memory_space<vmem>>
    %dma_start3A_341 = arith.constant 0 : i32
    %dma_start3A_342 = tpu.memref_slice %arg6[%dma_start3A_336, %dma_start3A_341] : memref<8x64xi32, #tpu.memory_space<vmem>> -> memref<1x64xi32, #tpu.memory_space<vmem>>
    %dma_start3A_343 = tpu.memref_squeeze %dma_start3A_342 : memref<1x64xi32, #tpu.memory_space<vmem>> -> memref<64xi32, #tpu.memory_space<vmem>>
    %dma_start3A_344 = arith.constant 0 : i32
    %dma_start3A_345 = arith.constant 0 : i32
    %dma_start3A_346 = tpu.memref_slice %arg7[%dma_start3A_344, %dma_start3A_345] : memref<128x128xf32, #tpu.memory_space<vmem_shared>> -> memref<128x128xf32, #tpu.memory_space<vmem_shared>>
    %dma_start3A_347 = tpu.memref_slice %arg9[%dma_start3A_337] : memref<8x!tpu.dma_semaphore, #tpu.memory_space<semaphore_mem>> -> memref<1x!tpu.dma_semaphore, #tpu.memory_space<semaphore_mem>>
    %dma_start3A_348 = tpu.memref_squeeze %dma_start3A_347 : memref<1x!tpu.dma_semaphore, #tpu.memory_space<semaphore_mem>> -> memref<!tpu.dma_semaphore, #tpu.memory_space<semaphore_mem>>
    tpu.enqueue_indirect_dma source(%dma_start3A_346 : memref<128x128xf32, #tpu.memory_space<vmem_shared>>) target(%dma_start3A_340 : memref<64x128xf32, #tpu.memory_space<vmem>>) offsets(%dma_start3A_343 : memref<64xi32, #tpu.memory_space<vmem>>) semaphore(%dma_start3A_348 : memref<!tpu.dma_semaphore, #tpu.memory_space<semaphore_mem>>)
    %get3A_349 = arith.constant 320 : index
    %get3A_350 = tpu.vector_load %arg5[%get3A_349] {strides = array<i32>} : memref<512xi32, #tpu.memory_space<vmem>>, vector<16xi32>,
    %get3A_351 = vector.shape_cast %get3A_350 : vector<16xi32> to vector<16xi32>
    %convert_element_type3A_352 = arith.sitofp %get3A_351 : vector<16xi32> to vector<16xf32>
    %div3A_353 = arith.constant 1.000000e+01 : f32
    %div3A_354 = vector.broadcast %div3A_353 : f32 to vector<16xf32>
    %div3A_355 = arith.divf %convert_element_type3A_352, %div3A_354 : vector<16xf32>
    %convert_element_type3A_356 = arith.fptosi %div3A_355 : vector<16xf32> to vector<16xi32>
    %swap3A_357 = arith.constant 5 : i32
    %swap3A_358 = arith.index_cast %swap3A_357 : i32 to index
    %swap3A_359 = arith.constant 0 : index
    %swap3A_360 = tpu.vector_load %arg6[%swap3A_358, %swap3A_359] {strides = array<i32>} : memref<8x64xi32, #tpu.memory_space<vmem>>, vector<1x16xi32>,
    %swap3A_361 = vector.shape_cast %swap3A_360 : vector<1x16xi32> to vector<16xi32>
    %swap3A_362 = vector.shape_cast %convert_element_type3A_356 : vector<16xi32> to vector<1x16xi32>
    tpu.vector_store %arg6[%swap3A_358, %swap3A_359], %swap3A_362 {strides = array<i32>} : memref<8x64xi32, #tpu.memory_space<vmem>>, vector<1x16xi32>,
    %get3A_363 = arith.constant 336 : index
    %get3A_364 = tpu.vector_load %arg5[%get3A_363] {strides = array<i32>} : memref<512xi32, #tpu.memory_space<vmem>>, vector<16xi32>,
    %get3A_365 = vector.shape_cast %get3A_364 : vector<16xi32> to vector<16xi32>
    %convert_element_type3A_366 = arith.sitofp %get3A_365 : vector<16xi32> to vector<16xf32>
    %div3A_367 = arith.constant 1.000000e+01 : f32
    %div3A_368 = vector.broadcast %div3A_367 : f32 to vector<16xf32>
    %div3A_369 = arith.divf %convert_element_type3A_366, %div3A_368 : vector<16xf32>
    %convert_element_type3A_370 = arith.fptosi %div3A_369 : vector<16xf32> to vector<16xi32>
    %swap3A_371 = arith.constant 5 : i32
    %swap3A_372 = arith.index_cast %swap3A_371 : i32 to index
    %swap3A_373 = arith.constant 16 : index
    %swap3A_374 = tpu.vector_load %arg6[%swap3A_372, %swap3A_373] {strides = array<i32>} : memref<8x64xi32, #tpu.memory_space<vmem>>, vector<1x16xi32>,
    %swap3A_375 = vector.shape_cast %swap3A_374 : vector<1x16xi32> to vector<16xi32>
    %swap3A_376 = vector.shape_cast %convert_element_type3A_370 : vector<16xi32> to vector<1x16xi32>
    tpu.vector_store %arg6[%swap3A_372, %swap3A_373], %swap3A_376 {strides = array<i32>} : memref<8x64xi32, #tpu.memory_space<vmem>>, vector<1x16xi32>,
    %get3A_377 = arith.constant 352 : index
    %get3A_378 = tpu.vector_load %arg5[%get3A_377] {strides = array<i32>} : memref<512xi32, #tpu.memory_space<vmem>>, vector<16xi32>,
    %get3A_379 = vector.shape_cast %get3A_378 : vector<16xi32> to vector<16xi32>
    %convert_element_type3A_380 = arith.sitofp %get3A_379 : vector<16xi32> to vector<16xf32>
    %div3A_381 = arith.constant 1.000000e+01 : f32
    %div3A_382 = vector.broadcast %div3A_381 : f32 to vector<16xf32>
    %div3A_383 = arith.divf %convert_element_type3A_380, %div3A_382 : vector<16xf32>
    %convert_element_type3A_384 = arith.fptosi %div3A_383 : vector<16xf32> to vector<16xi32>
    %swap3A_385 = arith.constant 5 : i32
    %swap3A_386 = arith.index_cast %swap3A_385 : i32 to index
    %swap3A_387 = arith.constant 32 : index
    %swap3A_388 = tpu.vector_load %arg6[%swap3A_386, %swap3A_387] {strides = array<i32>} : memref<8x64xi32, #tpu.memory_space<vmem>>, vector<1x16xi32>,
    %swap3A_389 = vector.shape_cast %swap3A_388 : vector<1x16xi32> to vector<16xi32>
    %swap3A_390 = vector.shape_cast %convert_element_type3A_384 : vector<16xi32> to vector<1x16xi32>
    tpu.vector_store %arg6[%swap3A_386, %swap3A_387], %swap3A_390 {strides = array<i32>} : memref<8x64xi32, #tpu.memory_space<vmem>>, vector<1x16xi32>,
    %get3A_391 = arith.constant 368 : index
    %get3A_392 = tpu.vector_load %arg5[%get3A_391] {strides = array<i32>} : memref<512xi32, #tpu.memory_space<vmem>>, vector<16xi32>,
    %get3A_393 = vector.shape_cast %get3A_392 : vector<16xi32> to vector<16xi32>
    %convert_element_type3A_394 = arith.sitofp %get3A_393 : vector<16xi32> to vector<16xf32>
    %div3A_395 = arith.constant 1.000000e+01 : f32
    %div3A_396 = vector.broadcast %div3A_395 : f32 to vector<16xf32>
    %div3A_397 = arith.divf %convert_element_type3A_394, %div3A_396 : vector<16xf32>
    %convert_element_type3A_398 = arith.fptosi %div3A_397 : vector<16xf32> to vector<16xi32>
    %swap3A_399 = arith.constant 5 : i32
    %swap3A_400 = arith.index_cast %swap3A_399 : i32 to index
    %swap3A_401 = arith.constant 48 : index
    %swap3A_402 = tpu.vector_load %arg6[%swap3A_400, %swap3A_401] {strides = array<i32>} : memref<8x64xi32, #tpu.memory_space<vmem>>, vector<1x16xi32>,
    %swap3A_403 = vector.shape_cast %swap3A_402 : vector<1x16xi32> to vector<16xi32>
    %swap3A_404 = vector.shape_cast %convert_element_type3A_398 : vector<16xi32> to vector<1x16xi32>
    tpu.vector_store %arg6[%swap3A_400, %swap3A_401], %swap3A_404 {strides = array<i32>} : memref<8x64xi32, #tpu.memory_space<vmem>>, vector<1x16xi32>,
    %dma_start3A_405 = arith.constant 5 : i32
    %dma_start3A_406 = arith.constant 5 : i32
    %dma_start3A_407 = arith.constant 320 : i32
    %dma_start3A_408 = arith.constant 0 : i32
    %dma_start3A_409 = tpu.memref_slice %arg8[%dma_start3A_407, %dma_start3A_408] : memref<512x128xf32, #tpu.memory_space<vmem>> -> memref<64x128xf32, #tpu.memory_space<vmem>>
    %dma_start3A_410 = arith.constant 0 : i32
    %dma_start3A_411 = tpu.memref_slice %arg6[%dma_start3A_405, %dma_start3A_410] : memref<8x64xi32, #tpu.memory_space<vmem>> -> memref<1x64xi32, #tpu.memory_space<vmem>>
    %dma_start3A_412 = tpu.memref_squeeze %dma_start3A_411 : memref<1x64xi32, #tpu.memory_space<vmem>> -> memref<64xi32, #tpu.memory_space<vmem>>
    %dma_start3A_413 = arith.constant 0 : i32
    %dma_start3A_414 = arith.constant 0 : i32
    %dma_start3A_415 = tpu.memref_slice %arg7[%dma_start3A_413, %dma_start3A_414] : memref<128x128xf32, #tpu.memory_space<vmem_shared>> -> memref<128x128xf32, #tpu.memory_space<vmem_shared>>
    %dma_start3A_416 = tpu.memref_slice %arg9[%dma_start3A_406] : memref<8x!tpu.dma_semaphore, #tpu.memory_space<semaphore_mem>> -> memref<1x!tpu.dma_semaphore, #tpu.memory_space<semaphore_mem>>
    %dma_start3A_417 = tpu.memref_squeeze %dma_start3A_416 : memref<1x!tpu.dma_semaphore, #tpu.memory_space<semaphore_mem>> -> memref<!tpu.dma_semaphore, #tpu.memory_space<semaphore_mem>>
    tpu.enqueue_indirect_dma source(%dma_start3A_415 : memref<128x128xf32, #tpu.memory_space<vmem_shared>>) target(%dma_start3A_409 : memref<64x128xf32, #tpu.memory_space<vmem>>) offsets(%dma_start3A_412 : memref<64xi32, #tpu.memory_space<vmem>>) semaphore(%dma_start3A_417 : memref<!tpu.dma_semaphore, #tpu.memory_space<semaphore_mem>>)
    %get3A_418 = arith.constant 384 : index
    %get3A_419 = tpu.vector_load %arg5[%get3A_418] {strides = array<i32>} : memref<512xi32, #tpu.memory_space<vmem>>, vector<16xi32>,
    %get3A_420 = vector.shape_cast %get3A_419 : vector<16xi32> to vector<16xi32>
    %convert_element_type3A_421 = arith.sitofp %get3A_420 : vector<16xi32> to vector<16xf32>
    %div3A_422 = arith.constant 1.000000e+01 : f32
    %div3A_423 = vector.broadcast %div3A_422 : f32 to vector<16xf32>
    %div3A_424 = arith.divf %convert_element_type3A_421, %div3A_423 : vector<16xf32>
    %convert_element_type3A_425 = arith.fptosi %div3A_424 : vector<16xf32> to vector<16xi32>
    %swap3A_426 = arith.constant 6 : i32
    %swap3A_427 = arith.index_cast %swap3A_426 : i32 to index
    %swap3A_428 = arith.constant 0 : index
    %swap3A_429 = tpu.vector_load %arg6[%swap3A_427, %swap3A_428] {strides = array<i32>} : memref<8x64xi32, #tpu.memory_space<vmem>>, vector<1x16xi32>,
    %swap3A_430 = vector.shape_cast %swap3A_429 : vector<1x16xi32> to vector<16xi32>
    %swap3A_431 = vector.shape_cast %convert_element_type3A_425 : vector<16xi32> to vector<1x16xi32>
    tpu.vector_store %arg6[%swap3A_427, %swap3A_428], %swap3A_431 {strides = array<i32>} : memref<8x64xi32, #tpu.memory_space<vmem>>, vector<1x16xi32>,
    %get3A_432 = arith.constant 400 : index
    %get3A_433 = tpu.vector_load %arg5[%get3A_432] {strides = array<i32>} : memref<512xi32, #tpu.memory_space<vmem>>, vector<16xi32>,
    %get3A_434 = vector.shape_cast %get3A_433 : vector<16xi32> to vector<16xi32>
    %convert_element_type3A_435 = arith.sitofp %get3A_434 : vector<16xi32> to vector<16xf32>
    %div3A_436 = arith.constant 1.000000e+01 : f32
    %div3A_437 = vector.broadcast %div3A_436 : f32 to vector<16xf32>
    %div3A_438 = arith.divf %convert_element_type3A_435, %div3A_437 : vector<16xf32>
    %convert_element_type3A_439 = arith.fptosi %div3A_438 : vector<16xf32> to vector<16xi32>
    %swap3A_440 = arith.constant 6 : i32
    %swap3A_441 = arith.index_cast %swap3A_440 : i32 to index
    %swap3A_442 = arith.constant 16 : index
    %swap3A_443 = tpu.vector_load %arg6[%swap3A_441, %swap3A_442] {strides = array<i32>} : memref<8x64xi32, #tpu.memory_space<vmem>>, vector<1x16xi32>,
    %swap3A_444 = vector.shape_cast %swap3A_443 : vector<1x16xi32> to vector<16xi32>
    %swap3A_445 = vector.shape_cast %convert_element_type3A_439 : vector<16xi32> to vector<1x16xi32>
    tpu.vector_store %arg6[%swap3A_441, %swap3A_442], %swap3A_445 {strides = array<i32>} : memref<8x64xi32, #tpu.memory_space<vmem>>, vector<1x16xi32>,
    %get3A_446 = arith.constant 416 : index
    %get3A_447 = tpu.vector_load %arg5[%get3A_446] {strides = array<i32>} : memref<512xi32, #tpu.memory_space<vmem>>, vector<16xi32>,
    %get3A_448 = vector.shape_cast %get3A_447 : vector<16xi32> to vector<16xi32>
    %convert_element_type3A_449 = arith.sitofp %get3A_448 : vector<16xi32> to vector<16xf32>
    %div3A_450 = arith.constant 1.000000e+01 : f32
    %div3A_451 = vector.broadcast %div3A_450 : f32 to vector<16xf32>
    %div3A_452 = arith.divf %convert_element_type3A_449, %div3A_451 : vector<16xf32>
    %convert_element_type3A_453 = arith.fptosi %div3A_452 : vector<16xf32> to vector<16xi32>
    %swap3A_454 = arith.constant 6 : i32
    %swap3A_455 = arith.index_cast %swap3A_454 : i32 to index
    %swap3A_456 = arith.constant 32 : index
    %swap3A_457 = tpu.vector_load %arg6[%swap3A_455, %swap3A_456] {strides = array<i32>} : memref<8x64xi32, #tpu.memory_space<vmem>>, vector<1x16xi32>,
    %swap3A_458 = vector.shape_cast %swap3A_457 : vector<1x16xi32> to vector<16xi32>
    %swap3A_459 = vector.shape_cast %convert_element_type3A_453 : vector<16xi32> to vector<1x16xi32>
    tpu.vector_store %arg6[%swap3A_455, %swap3A_456], %swap3A_459 {strides = array<i32>} : memref<8x64xi32, #tpu.memory_space<vmem>>, vector<1x16xi32>,
    %get3A_460 = arith.constant 432 : index
    %get3A_461 = tpu.vector_load %arg5[%get3A_460] {strides = array<i32>} : memref<512xi32, #tpu.memory_space<vmem>>, vector<16xi32>,
    %get3A_462 = vector.shape_cast %get3A_461 : vector<16xi32> to vector<16xi32>
    %convert_element_type3A_463 = arith.sitofp %get3A_462 : vector<16xi32> to vector<16xf32>
    %div3A_464 = arith.constant 1.000000e+01 : f32
    %div3A_465 = vector.broadcast %div3A_464 : f32 to vector<16xf32>
    %div3A_466 = arith.divf %convert_element_type3A_463, %div3A_465 : vector<16xf32>
    %convert_element_type3A_467 = arith.fptosi %div3A_466 : vector<16xf32> to vector<16xi32>
    %swap3A_468 = arith.constant 6 : i32
    %swap3A_469 = arith.index_cast %swap3A_468 : i32 to index
    %swap3A_470 = arith.constant 48 : index
    %swap3A_471 = tpu.vector_load %arg6[%swap3A_469, %swap3A_470] {strides = array<i32>} : memref<8x64xi32, #tpu.memory_space<vmem>>, vector<1x16xi32>,
    %swap3A_472 = vector.shape_cast %swap3A_471 : vector<1x16xi32> to vector<16xi32>
    %swap3A_473 = vector.shape_cast %convert_element_type3A_467 : vector<16xi32> to vector<1x16xi32>
    tpu.vector_store %arg6[%swap3A_469, %swap3A_470], %swap3A_473 {strides = array<i32>} : memref<8x64xi32, #tpu.memory_space<vmem>>, vector<1x16xi32>,
    %dma_start3A_474 = arith.constant 6 : i32
    %dma_start3A_475 = arith.constant 6 : i32
    %dma_start3A_476 = arith.constant 384 : i32
    %dma_start3A_477 = arith.constant 0 : i32
    %dma_start3A_478 = tpu.memref_slice %arg8[%dma_start3A_476, %dma_start3A_477] : memref<512x128xf32, #tpu.memory_space<vmem>> -> memref<64x128xf32, #tpu.memory_space<vmem>>
    %dma_start3A_479 = arith.constant 0 : i32
    %dma_start3A_480 = tpu.memref_slice %arg6[%dma_start3A_474, %dma_start3A_479] : memref<8x64xi32, #tpu.memory_space<vmem>> -> memref<1x64xi32, #tpu.memory_space<vmem>>
    %dma_start3A_481 = tpu.memref_squeeze %dma_start3A_480 : memref<1x64xi32, #tpu.memory_space<vmem>> -> memref<64xi32, #tpu.memory_space<vmem>>
    %dma_start3A_482 = arith.constant 0 : i32
    %dma_start3A_483 = arith.constant 0 : i32
    %dma_start3A_484 = tpu.memref_slice %arg7[%dma_start3A_482, %dma_start3A_483] : memref<128x128xf32, #tpu.memory_space<vmem_shared>> -> memref<128x128xf32, #tpu.memory_space<vmem_shared>>
    %dma_start3A_485 = tpu.memref_slice %arg9[%dma_start3A_475] : memref<8x!tpu.dma_semaphore, #tpu.memory_space<semaphore_mem>> -> memref<1x!tpu.dma_semaphore, #tpu.memory_space<semaphore_mem>>
    %dma_start3A_486 = tpu.memref_squeeze %dma_start3A_485 : memref<1x!tpu.dma_semaphore, #tpu.memory_space<semaphore_mem>> -> memref<!tpu.dma_semaphore, #tpu.memory_space<semaphore_mem>>
    tpu.enqueue_indirect_dma source(%dma_start3A_484 : memref<128x128xf32, #tpu.memory_space<vmem_shared>>) target(%dma_start3A_478 : memref<64x128xf32, #tpu.memory_space<vmem>>) offsets(%dma_start3A_481 : memref<64xi32, #tpu.memory_space<vmem>>) semaphore(%dma_start3A_486 : memref<!tpu.dma_semaphore, #tpu.memory_space<semaphore_mem>>)
    %get3A_487 = arith.constant 448 : index
    %get3A_488 = tpu.vector_load %arg5[%get3A_487] {strides = array<i32>} : memref<512xi32, #tpu.memory_space<vmem>>, vector<16xi32>,
    %get3A_489 = vector.shape_cast %get3A_488 : vector<16xi32> to vector<16xi32>
    %convert_element_type3A_490 = arith.sitofp %get3A_489 : vector<16xi32> to vector<16xf32>
    %div3A_491 = arith.constant 1.000000e+01 : f32
    %div3A_492 = vector.broadcast %div3A_491 : f32 to vector<16xf32>
    %div3A_493 = arith.divf %convert_element_type3A_490, %div3A_492 : vector<16xf32>
    %convert_element_type3A_494 = arith.fptosi %div3A_493 : vector<16xf32> to vector<16xi32>
    %swap3A_495 = arith.constant 7 : i32
    %swap3A_496 = arith.index_cast %swap3A_495 : i32 to index
    %swap3A_497 = arith.constant 0 : index
    %swap3A_498 = tpu.vector_load %arg6[%swap3A_496, %swap3A_497] {strides = array<i32>} : memref<8x64xi32, #tpu.memory_space<vmem>>, vector<1x16xi32>,
    %swap3A_499 = vector.shape_cast %swap3A_498 : vector<1x16xi32> to vector<16xi32>
    %swap3A_500 = vector.shape_cast %convert_element_type3A_494 : vector<16xi32> to vector<1x16xi32>
    tpu.vector_store %arg6[%swap3A_496, %swap3A_497], %swap3A_500 {strides = array<i32>} : memref<8x64xi32, #tpu.memory_space<vmem>>, vector<1x16xi32>,
    %get3A_501 = arith.constant 464 : index
    %get3A_502 = tpu.vector_load %arg5[%get3A_501] {strides = array<i32>} : memref<512xi32, #tpu.memory_space<vmem>>, vector<16xi32>,
    %get3A_503 = vector.shape_cast %get3A_502 : vector<16xi32> to vector<16xi32>
    %convert_element_type3A_504 = arith.sitofp %get3A_503 : vector<16xi32> to vector<16xf32>
    %div3A_505 = arith.constant 1.000000e+01 : f32
    %div3A_506 = vector.broadcast %div3A_505 : f32 to vector<16xf32>
    %div3A_507 = arith.divf %convert_element_type3A_504, %div3A_506 : vector<16xf32>
    %convert_element_type3A_508 = arith.fptosi %div3A_507 : vector<16xf32> to vector<16xi32>
    %swap3A_509 = arith.constant 7 : i32
    %swap3A_510 = arith.index_cast %swap3A_509 : i32 to index
    %swap3A_511 = arith.constant 16 : index
    %swap3A_512 = tpu.vector_load %arg6[%swap3A_510, %swap3A_511] {strides = array<i32>} : memref<8x64xi32, #tpu.memory_space<vmem>>, vector<1x16xi32>,
    %swap3A_513 = vector.shape_cast %swap3A_512 : vector<1x16xi32> to vector<16xi32>
    %swap3A_514 = vector.shape_cast %convert_element_type3A_508 : vector<16xi32> to vector<1x16xi32>
    tpu.vector_store %arg6[%swap3A_510, %swap3A_511], %swap3A_514 {strides = array<i32>} : memref<8x64xi32, #tpu.memory_space<vmem>>, vector<1x16xi32>,
    %get3A_515 = arith.constant 480 : index
    %get3A_516 = tpu.vector_load %arg5[%get3A_515] {strides = array<i32>} : memref<512xi32, #tpu.memory_space<vmem>>, vector<16xi32>,
    %get3A_517 = vector.shape_cast %get3A_516 : vector<16xi32> to vector<16xi32>
    %convert_element_type3A_518 = arith.sitofp %get3A_517 : vector<16xi32> to vector<16xf32>
    %div3A_519 = arith.constant 1.000000e+01 : f32
    %div3A_520 = vector.broadcast %div3A_519 : f32 to vector<16xf32>
    %div3A_521 = arith.divf %convert_element_type3A_518, %div3A_520 : vector<16xf32>
    %convert_element_type3A_522 = arith.fptosi %div3A_521 : vector<16xf32> to vector<16xi32>
    %swap3A_523 = arith.constant 7 : i32
    %swap3A_524 = arith.index_cast %swap3A_523 : i32 to index
    %swap3A_525 = arith.constant 32 : index
    %swap3A_526 = tpu.vector_load %arg6[%swap3A_524, %swap3A_525] {strides = array<i32>} : memref<8x64xi32, #tpu.memory_space<vmem>>, vector<1x16xi32>,
    %swap3A_527 = vector.shape_cast %swap3A_526 : vector<1x16xi32> to vector<16xi32>
    %swap3A_528 = vector.shape_cast %convert_element_type3A_522 : vector<16xi32> to vector<1x16xi32>
    tpu.vector_store %arg6[%swap3A_524, %swap3A_525], %swap3A_528 {strides = array<i32>} : memref<8x64xi32, #tpu.memory_space<vmem>>, vector<1x16xi32>,
    %get3A_529 = arith.constant 496 : index
    %get3A_530 = tpu.vector_load %arg5[%get3A_529] {strides = array<i32>} : memref<512xi32, #tpu.memory_space<vmem>>, vector<16xi32>,
    %get3A_531 = vector.shape_cast %get3A_530 : vector<16xi32> to vector<16xi32>
    %convert_element_type3A_532 = arith.sitofp %get3A_531 : vector<16xi32> to vector<16xf32>
    %div3A_533 = arith.constant 1.000000e+01 : f32
    %div3A_534 = vector.broadcast %div3A_533 : f32 to vector<16xf32>
    %div3A_535 = arith.divf %convert_element_type3A_532, %div3A_534 : vector<16xf32>
    %convert_element_type3A_536 = arith.fptosi %div3A_535 : vector<16xf32> to vector<16xi32>
    %swap3A_537 = arith.constant 7 : i32
    %swap3A_538 = arith.index_cast %swap3A_537 : i32 to index
    %swap3A_539 = arith.constant 48 : index
    %swap3A_540 = tpu.vector_load %arg6[%swap3A_538, %swap3A_539] {strides = array<i32>} : memref<8x64xi32, #tpu.memory_space<vmem>>, vector<1x16xi32>,
    %swap3A_541 = vector.shape_cast %swap3A_540 : vector<1x16xi32> to vector<16xi32>
    %swap3A_542 = vector.shape_cast %convert_element_type3A_536 : vector<16xi32> to vector<1x16xi32>
    tpu.vector_store %arg6[%swap3A_538, %swap3A_539], %swap3A_542 {strides = array<i32>} : memref<8x64xi32, #tpu.memory_space<vmem>>, vector<1x16xi32>,
    %dma_start3A_543 = arith.constant 7 : i32
    %dma_start3A_544 = arith.constant 7 : i32
    %dma_start3A_545 = arith.constant 448 : i32
    %dma_start3A_546 = arith.constant 0 : i32
    %dma_start3A_547 = tpu.memref_slice %arg8[%dma_start3A_545, %dma_start3A_546] : memref<512x128xf32, #tpu.memory_space<vmem>> -> memref<64x128xf32, #tpu.memory_space<vmem>>
    %dma_start3A_548 = arith.constant 0 : i32
    %dma_start3A_549 = tpu.memref_slice %arg6[%dma_start3A_543, %dma_start3A_548] : memref<8x64xi32, #tpu.memory_space<vmem>> -> memref<1x64xi32, #tpu.memory_space<vmem>>
    %dma_start3A_550 = tpu.memref_squeeze %dma_start3A_549 : memref<1x64xi32, #tpu.memory_space<vmem>> -> memref<64xi32, #tpu.memory_space<vmem>>
    %dma_start3A_551 = arith.constant 0 : i32
    %dma_start3A_552 = arith.constant 0 : i32
    %dma_start3A_553 = tpu.memref_slice %arg7[%dma_start3A_551, %dma_start3A_552] : memref<128x128xf32, #tpu.memory_space<vmem_shared>> -> memref<128x128xf32, #tpu.memory_space<vmem_shared>>
    %dma_start3A_554 = tpu.memref_slice %arg9[%dma_start3A_544] : memref<8x!tpu.dma_semaphore, #tpu.memory_space<semaphore_mem>> -> memref<1x!tpu.dma_semaphore, #tpu.memory_space<semaphore_mem>>
    %dma_start3A_555 = tpu.memref_squeeze %dma_start3A_554 : memref<1x!tpu.dma_semaphore, #tpu.memory_space<semaphore_mem>> -> memref<!tpu.dma_semaphore, #tpu.memory_space<semaphore_mem>>
    tpu.enqueue_indirect_dma source(%dma_start3A_553 : memref<128x128xf32, #tpu.memory_space<vmem_shared>>) target(%dma_start3A_547 : memref<64x128xf32, #tpu.memory_space<vmem>>) offsets(%dma_start3A_550 : memref<64xi32, #tpu.memory_space<vmem>>) semaphore(%dma_start3A_555 : memref<!tpu.dma_semaphore, #tpu.memory_space<semaphore_mem>>)
    %dma_wait3A_556 = arith.constant 0 : i32
    %dma_wait3A_557 = arith.constant 0 : i32
    %dma_wait3A_558 = arith.constant 0 : i32
    %dma_wait3A_559 = arith.constant 0 : i32
    %dma_wait3A_560 = tpu.memref_slice %arg8[%dma_wait3A_558, %dma_wait3A_559] : memref<512x128xf32, #tpu.memory_space<vmem>> -> memref<64x128xf32, #tpu.memory_space<vmem>>
    %dma_wait3A_561 = arith.constant 0 : i32
    %dma_wait3A_562 = tpu.memref_slice %arg6[%dma_wait3A_556, %dma_wait3A_561] : memref<8x64xi32, #tpu.memory_space<vmem>> -> memref<1x64xi32, #tpu.memory_space<vmem>>
    %dma_wait3A_563 = tpu.memref_squeeze %dma_wait3A_562 : memref<1x64xi32, #tpu.memory_space<vmem>> -> memref<64xi32, #tpu.memory_space<vmem>>
    %dma_wait3A_564 = arith.constant 0 : i32
    %dma_wait3A_565 = arith.constant 0 : i32
    %dma_wait3A_566 = tpu.memref_slice %arg7[%dma_wait3A_564, %dma_wait3A_565] : memref<128x128xf32, #tpu.memory_space<vmem_shared>> -> memref<128x128xf32, #tpu.memory_space<vmem_shared>>
    %dma_wait3A_567 = tpu.memref_slice %arg9[%dma_wait3A_557] : memref<8x!tpu.dma_semaphore, #tpu.memory_space<semaphore_mem>> -> memref<1x!tpu.dma_semaphore, #tpu.memory_space<semaphore_mem>>
    %dma_wait3A_568 = tpu.memref_squeeze %dma_wait3A_567 : memref<1x!tpu.dma_semaphore, #tpu.memory_space<semaphore_mem>> -> memref<!tpu.dma_semaphore, #tpu.memory_space<semaphore_mem>>
    tpu.wait_indirect_dma semaphore(%dma_wait3A_568 : memref<!tpu.dma_semaphore, #tpu.memory_space<semaphore_mem>>) src(%dma_wait3A_566 : memref<128x128xf32, #tpu.memory_space<vmem_shared>>) dst(%dma_wait3A_560 : memref<64x128xf32, #tpu.memory_space<vmem>>)
    %add3A_569 = arith.constant 0 : i32
    %add3A_570 = arith.addi %mul3A_2, %add3A_569 : i32
    %dma_start3A_571 = arith.constant 0 : i32
    %dma_start3A_572 = arith.constant 0 : i32
    %dma_start3A_573 = tpu.memref_slice %arg8[%dma_start3A_571, %dma_start3A_572] : memref<512x128xf32, #tpu.memory_space<vmem>> -> memref<64x128xf32, #tpu.memory_space<vmem>>
    %dma_start3A_574 = arith.constant 0 : i32
    %dma_start3A_575 = tpu.memref_slice %arg4[%add3A_570, %dma_start3A_574] : memref<16384x128xf32, #tpu.memory_space<hbm>> -> memref<64x128xf32, #tpu.memory_space<hbm>>
    %dma_start3A_576 = arith.constant 0 : i32
    %dma_start3A_577 = tpu.memref_slice %arg4[%add3A_570, %dma_start3A_576] : memref<16384x128xf32, #tpu.memory_space<hbm>> -> memref<64x128xf32, #tpu.memory_space<hbm>>
    %dma_start3A_578 = arith.constant 0 : i32
    %dma_start3A_579 = arith.constant 0 : i32
    %dma_start3A_580 = tpu.memref_slice %arg8[%dma_start3A_578, %dma_start3A_579] : memref<512x128xf32, #tpu.memory_space<vmem>> -> memref<64x128xf32, #tpu.memory_space<vmem>>
    tpu.enqueue_dma source(%dma_start3A_580 : memref<64x128xf32, #tpu.memory_space<vmem>>) target(%dma_start3A_577 : memref<64x128xf32, #tpu.memory_space<hbm>>) target_semaphore(%arg10 : memref<!tpu.dma_semaphore, #tpu.memory_space<semaphore_mem>>)
    %dma_wait3A_581 = arith.constant 1 : i32
    %dma_wait3A_582 = arith.constant 1 : i32
    %dma_wait3A_583 = arith.constant 64 : i32
    %dma_wait3A_584 = arith.constant 0 : i32
    %dma_wait3A_585 = tpu.memref_slice %arg8[%dma_wait3A_583, %dma_wait3A_584] : memref<512x128xf32, #tpu.memory_space<vmem>> -> memref<64x128xf32, #tpu.memory_space<vmem>>
    %dma_wait3A_586 = arith.constant 0 : i32
    %dma_wait3A_587 = tpu.memref_slice %arg6[%dma_wait3A_581, %dma_wait3A_586] : memref<8x64xi32, #tpu.memory_space<vmem>> -> memref<1x64xi32, #tpu.memory_space<vmem>>
    %dma_wait3A_588 = tpu.memref_squeeze %dma_wait3A_587 : memref<1x64xi32, #tpu.memory_space<vmem>> -> memref<64xi32, #tpu.memory_space<vmem>>
    %dma_wait3A_589 = arith.constant 0 : i32
    %dma_wait3A_590 = arith.constant 0 : i32
    %dma_wait3A_591 = tpu.memref_slice %arg7[%dma_wait3A_589, %dma_wait3A_590] : memref<128x128xf32, #tpu.memory_space<vmem_shared>> -> memref<128x128xf32, #tpu.memory_space<vmem_shared>>
    %dma_wait3A_592 = tpu.memref_slice %arg9[%dma_wait3A_582] : memref<8x!tpu.dma_semaphore, #tpu.memory_space<semaphore_mem>> -> memref<1x!tpu.dma_semaphore, #tpu.memory_space<semaphore_mem>>
    %dma_wait3A_593 = tpu.memref_squeeze %dma_wait3A_592 : memref<1x!tpu.dma_semaphore, #tpu.memory_space<semaphore_mem>> -> memref<!tpu.dma_semaphore, #tpu.memory_space<semaphore_mem>>
    tpu.wait_indirect_dma semaphore(%dma_wait3A_593 : memref<!tpu.dma_semaphore, #tpu.memory_space<semaphore_mem>>) src(%dma_wait3A_591 : memref<128x128xf32, #tpu.memory_space<vmem_shared>>) dst(%dma_wait3A_585 : memref<64x128xf32, #tpu.memory_space<vmem>>)
    %add3A_594 = arith.constant 64 : i32
    %add3A_595 = arith.addi %mul3A_2, %add3A_594 : i32
    %dma_start3A_596 = arith.constant 64 : i32
    %dma_start3A_597 = arith.constant 0 : i32
    %dma_start3A_598 = tpu.memref_slice %arg8[%dma_start3A_596, %dma_start3A_597] : memref<512x128xf32, #tpu.memory_space<vmem>> -> memref<64x128xf32, #tpu.memory_space<vmem>>
    %dma_start3A_599 = arith.constant 0 : i32
    %dma_start3A_600 = tpu.memref_slice %arg4[%add3A_595, %dma_start3A_599] : memref<16384x128xf32, #tpu.memory_space<hbm>> -> memref<64x128xf32, #tpu.memory_space<hbm>>
    %dma_start3A_601 = arith.constant 0 : i32
    %dma_start3A_602 = tpu.memref_slice %arg4[%add3A_595, %dma_start3A_601] : memref<16384x128xf32, #tpu.memory_space<hbm>> -> memref<64x128xf32, #tpu.memory_space<hbm>>
    %dma_start3A_603 = arith.constant 64 : i32
    %dma_start3A_604 = arith.constant 0 : i32
    %dma_start3A_605 = tpu.memref_slice %arg8[%dma_start3A_603, %dma_start3A_604] : memref<512x128xf32, #tpu.memory_space<vmem>> -> memref<64x128xf32, #tpu.memory_space<vmem>>
    tpu.enqueue_dma source(%dma_start3A_605 : memref<64x128xf32, #tpu.memory_space<vmem>>) target(%dma_start3A_602 : memref<64x128xf32, #tpu.memory_space<hbm>>) target_semaphore(%arg10 : memref<!tpu.dma_semaphore, #tpu.memory_space<semaphore_mem>>)
    %dma_wait3A_606 = arith.constant 2 : i32
    %dma_wait3A_607 = arith.constant 2 : i32
    %dma_wait3A_608 = arith.constant 128 : i32
    %dma_wait3A_609 = arith.constant 0 : i32
    %dma_wait3A_610 = tpu.memref_slice %arg8[%dma_wait3A_608, %dma_wait3A_609] : memref<512x128xf32, #tpu.memory_space<vmem>> -> memref<64x128xf32, #tpu.memory_space<vmem>>
    %dma_wait3A_611 = arith.constant 0 : i32
    %dma_wait3A_612 = tpu.memref_slice %arg6[%dma_wait3A_606, %dma_wait3A_611] : memref<8x64xi32, #tpu.memory_space<vmem>> -> memref<1x64xi32, #tpu.memory_space<vmem>>
    %dma_wait3A_613 = tpu.memref_squeeze %dma_wait3A_612 : memref<1x64xi32, #tpu.memory_space<vmem>> -> memref<64xi32, #tpu.memory_space<vmem>>
    %dma_wait3A_614 = arith.constant 0 : i32
    %dma_wait3A_615 = arith.constant 0 : i32
    %dma_wait3A_616 = tpu.memref_slice %arg7[%dma_wait3A_614, %dma_wait3A_615] : memref<128x128xf32, #tpu.memory_space<vmem_shared>> -> memref<128x128xf32, #tpu.memory_space<vmem_shared>>
    %dma_wait3A_617 = tpu.memref_slice %arg9[%dma_wait3A_607] : memref<8x!tpu.dma_semaphore, #tpu.memory_space<semaphore_mem>> -> memref<1x!tpu.dma_semaphore, #tpu.memory_space<semaphore_mem>>
    %dma_wait3A_618 = tpu.memref_squeeze %dma_wait3A_617 : memref<1x!tpu.dma_semaphore, #tpu.memory_space<semaphore_mem>> -> memref<!tpu.dma_semaphore, #tpu.memory_space<semaphore_mem>>
    tpu.wait_indirect_dma semaphore(%dma_wait3A_618 : memref<!tpu.dma_semaphore, #tpu.memory_space<semaphore_mem>>) src(%dma_wait3A_616 : memref<128x128xf32, #tpu.memory_space<vmem_shared>>) dst(%dma_wait3A_610 : memref<64x128xf32, #tpu.memory_space<vmem>>)
    %add3A_619 = arith.constant 128 : i32
    %add3A_620 = arith.addi %mul3A_2, %add3A_619 : i32
    %dma_start3A_621 = arith.constant 128 : i32
    %dma_start3A_622 = arith.constant 0 : i32
    %dma_start3A_623 = tpu.memref_slice %arg8[%dma_start3A_621, %dma_start3A_622] : memref<512x128xf32, #tpu.memory_space<vmem>> -> memref<64x128xf32, #tpu.memory_space<vmem>>
    %dma_start3A_624 = arith.constant 0 : i32
    %dma_start3A_625 = tpu.memref_slice %arg4[%add3A_620, %dma_start3A_624] : memref<16384x128xf32, #tpu.memory_space<hbm>> -> memref<64x128xf32, #tpu.memory_space<hbm>>
    %dma_start3A_626 = arith.constant 0 : i32
    %dma_start3A_627 = tpu.memref_slice %arg4[%add3A_620, %dma_start3A_626] : memref<16384x128xf32, #tpu.memory_space<hbm>> -> memref<64x128xf32, #tpu.memory_space<hbm>>
    %dma_start3A_628 = arith.constant 128 : i32
    %dma_start3A_629 = arith.constant 0 : i32
    %dma_start3A_630 = tpu.memref_slice %arg8[%dma_start3A_628, %dma_start3A_629] : memref<512x128xf32, #tpu.memory_space<vmem>> -> memref<64x128xf32, #tpu.memory_space<vmem>>
    tpu.enqueue_dma source(%dma_start3A_630 : memref<64x128xf32, #tpu.memory_space<vmem>>) target(%dma_start3A_627 : memref<64x128xf32, #tpu.memory_space<hbm>>) target_semaphore(%arg10 : memref<!tpu.dma_semaphore, #tpu.memory_space<semaphore_mem>>)
    %dma_wait3A_631 = arith.constant 3 : i32
    %dma_wait3A_632 = arith.constant 3 : i32
    %dma_wait3A_633 = arith.constant 192 : i32
    %dma_wait3A_634 = arith.constant 0 : i32
    %dma_wait3A_635 = tpu.memref_slice %arg8[%dma_wait3A_633, %dma_wait3A_634] : memref<512x128xf32, #tpu.memory_space<vmem>> -> memref<64x128xf32, #tpu.memory_space<vmem>>
    %dma_wait3A_636 = arith.constant 0 : i32
    %dma_wait3A_637 = tpu.memref_slice %arg6[%dma_wait3A_631, %dma_wait3A_636] : memref<8x64xi32, #tpu.memory_space<vmem>> -> memref<1x64xi32, #tpu.memory_space<vmem>>
    %dma_wait3A_638 = tpu.memref_squeeze %dma_wait3A_637 : memref<1x64xi32, #tpu.memory_space<vmem>> -> memref<64xi32, #tpu.memory_space<vmem>>
    %dma_wait3A_639 = arith.constant 0 : i32
    %dma_wait3A_640 = arith.constant 0 : i32
    %dma_wait3A_641 = tpu.memref_slice %arg7[%dma_wait3A_639, %dma_wait3A_640] : memref<128x128xf32, #tpu.memory_space<vmem_shared>> -> memref<128x128xf32, #tpu.memory_space<vmem_shared>>
    %dma_wait3A_642 = tpu.memref_slice %arg9[%dma_wait3A_632] : memref<8x!tpu.dma_semaphore, #tpu.memory_space<semaphore_mem>> -> memref<1x!tpu.dma_semaphore, #tpu.memory_space<semaphore_mem>>
    %dma_wait3A_643 = tpu.memref_squeeze %dma_wait3A_642 : memref<1x!tpu.dma_semaphore, #tpu.memory_space<semaphore_mem>> -> memref<!tpu.dma_semaphore, #tpu.memory_space<semaphore_mem>>
    tpu.wait_indirect_dma semaphore(%dma_wait3A_643 : memref<!tpu.dma_semaphore, #tpu.memory_space<semaphore_mem>>) src(%dma_wait3A_641 : memref<128x128xf32, #tpu.memory_space<vmem_shared>>) dst(%dma_wait3A_635 : memref<64x128xf32, #tpu.memory_space<vmem>>)
    %add3A_644 = arith.constant 192 : i32
    %add3A_645 = arith.addi %mul3A_2, %add3A_644 : i32
    %dma_start3A_646 = arith.constant 192 : i32
    %dma_start3A_647 = arith.constant 0 : i32
    %dma_start3A_648 = tpu.memref_slice %arg8[%dma_start3A_646, %dma_start3A_647] : memref<512x128xf32, #tpu.memory_space<vmem>> -> memref<64x128xf32, #tpu.memory_space<vmem>>
    %dma_start3A_649 = arith.constant 0 : i32
    %dma_start3A_650 = tpu.memref_slice %arg4[%add3A_645, %dma_start3A_649] : memref<16384x128xf32, #tpu.memory_space<hbm>> -> memref<64x128xf32, #tpu.memory_space<hbm>>
    %dma_start3A_651 = arith.constant 0 : i32
    %dma_start3A_652 = tpu.memref_slice %arg4[%add3A_645, %dma_start3A_651] : memref<16384x128xf32, #tpu.memory_space<hbm>> -> memref<64x128xf32, #tpu.memory_space<hbm>>
    %dma_start3A_653 = arith.constant 192 : i32
    %dma_start3A_654 = arith.constant 0 : i32
    %dma_start3A_655 = tpu.memref_slice %arg8[%dma_start3A_653, %dma_start3A_654] : memref<512x128xf32, #tpu.memory_space<vmem>> -> memref<64x128xf32, #tpu.memory_space<vmem>>
    tpu.enqueue_dma source(%dma_start3A_655 : memref<64x128xf32, #tpu.memory_space<vmem>>) target(%dma_start3A_652 : memref<64x128xf32, #tpu.memory_space<hbm>>) target_semaphore(%arg10 : memref<!tpu.dma_semaphore, #tpu.memory_space<semaphore_mem>>)
    %dma_wait3A_656 = arith.constant 4 : i32
    %dma_wait3A_657 = arith.constant 4 : i32
    %dma_wait3A_658 = arith.constant 256 : i32
    %dma_wait3A_659 = arith.constant 0 : i32
    %dma_wait3A_660 = tpu.memref_slice %arg8[%dma_wait3A_658, %dma_wait3A_659] : memref<512x128xf32, #tpu.memory_space<vmem>> -> memref<64x128xf32, #tpu.memory_space<vmem>>
    %dma_wait3A_661 = arith.constant 0 : i32
    %dma_wait3A_662 = tpu.memref_slice %arg6[%dma_wait3A_656, %dma_wait3A_661] : memref<8x64xi32, #tpu.memory_space<vmem>> -> memref<1x64xi32, #tpu.memory_space<vmem>>
    %dma_wait3A_663 = tpu.memref_squeeze %dma_wait3A_662 : memref<1x64xi32, #tpu.memory_space<vmem>> -> memref<64xi32, #tpu.memory_space<vmem>>
    %dma_wait3A_664 = arith.constant 0 : i32
    %dma_wait3A_665 = arith.constant 0 : i32
    %dma_wait3A_666 = tpu.memref_slice %arg7[%dma_wait3A_664, %dma_wait3A_665] : memref<128x128xf32, #tpu.memory_space<vmem_shared>> -> memref<128x128xf32, #tpu.memory_space<vmem_shared>>
    %dma_wait3A_667 = tpu.memref_slice %arg9[%dma_wait3A_657] : memref<8x!tpu.dma_semaphore, #tpu.memory_space<semaphore_mem>> -> memref<1x!tpu.dma_semaphore, #tpu.memory_space<semaphore_mem>>
    %dma_wait3A_668 = tpu.memref_squeeze %dma_wait3A_667 : memref<1x!tpu.dma_semaphore, #tpu.memory_space<semaphore_mem>> -> memref<!tpu.dma_semaphore, #tpu.memory_space<semaphore_mem>>
    tpu.wait_indirect_dma semaphore(%dma_wait3A_668 : memref<!tpu.dma_semaphore, #tpu.memory_space<semaphore_mem>>) src(%dma_wait3A_666 : memref<128x128xf32, #tpu.memory_space<vmem_shared>>) dst(%dma_wait3A_660 : memref<64x128xf32, #tpu.memory_space<vmem>>)
    %add3A_669 = arith.constant 256 : i32
    %add3A_670 = arith.addi %mul3A_2, %add3A_669 : i32
    %dma_start3A_671 = arith.constant 256 : i32
    %dma_start3A_672 = arith.constant 0 : i32
    %dma_start3A_673 = tpu.memref_slice %arg8[%dma_start3A_671, %dma_start3A_672] : memref<512x128xf32, #tpu.memory_space<vmem>> -> memref<64x128xf32, #tpu.memory_space<vmem>>
    %dma_start3A_674 = arith.constant 0 : i32
    %dma_start3A_675 = tpu.memref_slice %arg4[%add3A_670, %dma_start3A_674] : memref<16384x128xf32, #tpu.memory_space<hbm>> -> memref<64x128xf32, #tpu.memory_space<hbm>>
    %dma_start3A_676 = arith.constant 0 : i32
    %dma_start3A_677 = tpu.memref_slice %arg4[%add3A_670, %dma_start3A_676] : memref<16384x128xf32, #tpu.memory_space<hbm>> -> memref<64x128xf32, #tpu.memory_space<hbm>>
    %dma_start3A_678 = arith.constant 256 : i32
    %dma_start3A_679 = arith.constant 0 : i32
    %dma_start3A_680 = tpu.memref_slice %arg8[%dma_start3A_678, %dma_start3A_679] : memref<512x128xf32, #tpu.memory_space<vmem>> -> memref<64x128xf32, #tpu.memory_space<vmem>>
    tpu.enqueue_dma source(%dma_start3A_680 : memref<64x128xf32, #tpu.memory_space<vmem>>) target(%dma_start3A_677 : memref<64x128xf32, #tpu.memory_space<hbm>>) target_semaphore(%arg10 : memref<!tpu.dma_semaphore, #tpu.memory_space<semaphore_mem>>)
    %dma_wait3A_681 = arith.constant 5 : i32
    %dma_wait3A_682 = arith.constant 5 : i32
    %dma_wait3A_683 = arith.constant 320 : i32
    %dma_wait3A_684 = arith.constant 0 : i32
    %dma_wait3A_685 = tpu.memref_slice %arg8[%dma_wait3A_683, %dma_wait3A_684] : memref<512x128xf32, #tpu.memory_space<vmem>> -> memref<64x128xf32, #tpu.memory_space<vmem>>
    %dma_wait3A_686 = arith.constant 0 : i32
    %dma_wait3A_687 = tpu.memref_slice %arg6[%dma_wait3A_681, %dma_wait3A_686] : memref<8x64xi32, #tpu.memory_space<vmem>> -> memref<1x64xi32, #tpu.memory_space<vmem>>
    %dma_wait3A_688 = tpu.memref_squeeze %dma_wait3A_687 : memref<1x64xi32, #tpu.memory_space<vmem>> -> memref<64xi32, #tpu.memory_space<vmem>>
    %dma_wait3A_689 = arith.constant 0 : i32
    %dma_wait3A_690 = arith.constant 0 : i32
    %dma_wait3A_691 = tpu.memref_slice %arg7[%dma_wait3A_689, %dma_wait3A_690] : memref<128x128xf32, #tpu.memory_space<vmem_shared>> -> memref<128x128xf32, #tpu.memory_space<vmem_shared>>
    %dma_wait3A_692 = tpu.memref_slice %arg9[%dma_wait3A_682] : memref<8x!tpu.dma_semaphore, #tpu.memory_space<semaphore_mem>> -> memref<1x!tpu.dma_semaphore, #tpu.memory_space<semaphore_mem>>
    %dma_wait3A_693 = tpu.memref_squeeze %dma_wait3A_692 : memref<1x!tpu.dma_semaphore, #tpu.memory_space<semaphore_mem>> -> memref<!tpu.dma_semaphore, #tpu.memory_space<semaphore_mem>>
    tpu.wait_indirect_dma semaphore(%dma_wait3A_693 : memref<!tpu.dma_semaphore, #tpu.memory_space<semaphore_mem>>) src(%dma_wait3A_691 : memref<128x128xf32, #tpu.memory_space<vmem_shared>>) dst(%dma_wait3A_685 : memref<64x128xf32, #tpu.memory_space<vmem>>)
    %add3A_694 = arith.constant 320 : i32
    %add3A_695 = arith.addi %mul3A_2, %add3A_694 : i32
    %dma_start3A_696 = arith.constant 320 : i32
    %dma_start3A_697 = arith.constant 0 : i32
    %dma_start3A_698 = tpu.memref_slice %arg8[%dma_start3A_696, %dma_start3A_697] : memref<512x128xf32, #tpu.memory_space<vmem>> -> memref<64x128xf32, #tpu.memory_space<vmem>>
    %dma_start3A_699 = arith.constant 0 : i32
    %dma_start3A_700 = tpu.memref_slice %arg4[%add3A_695, %dma_start3A_699] : memref<16384x128xf32, #tpu.memory_space<hbm>> -> memref<64x128xf32, #tpu.memory_space<hbm>>
    %dma_start3A_701 = arith.constant 0 : i32
    %dma_start3A_702 = tpu.memref_slice %arg4[%add3A_695, %dma_start3A_701] : memref<16384x128xf32, #tpu.memory_space<hbm>> -> memref<64x128xf32, #tpu.memory_space<hbm>>
    %dma_start3A_703 = arith.constant 320 : i32
    %dma_start3A_704 = arith.constant 0 : i32
    %dma_start3A_705 = tpu.memref_slice %arg8[%dma_start3A_703, %dma_start3A_704] : memref<512x128xf32, #tpu.memory_space<vmem>> -> memref<64x128xf32, #tpu.memory_space<vmem>>
    tpu.enqueue_dma source(%dma_start3A_705 : memref<64x128xf32, #tpu.memory_space<vmem>>) target(%dma_start3A_702 : memref<64x128xf32, #tpu.memory_space<hbm>>) target_semaphore(%arg10 : memref<!tpu.dma_semaphore, #tpu.memory_space<semaphore_mem>>)
    %dma_wait3A_706 = arith.constant 6 : i32
    %dma_wait3A_707 = arith.constant 6 : i32
    %dma_wait3A_708 = arith.constant 384 : i32
    %dma_wait3A_709 = arith.constant 0 : i32
    %dma_wait3A_710 = tpu.memref_slice %arg8[%dma_wait3A_708, %dma_wait3A_709] : memref<512x128xf32, #tpu.memory_space<vmem>> -> memref<64x128xf32, #tpu.memory_space<vmem>>
    %dma_wait3A_711 = arith.constant 0 : i32
    %dma_wait3A_712 = tpu.memref_slice %arg6[%dma_wait3A_706, %dma_wait3A_711] : memref<8x64xi32, #tpu.memory_space<vmem>> -> memref<1x64xi32, #tpu.memory_space<vmem>>
    %dma_wait3A_713 = tpu.memref_squeeze %dma_wait3A_712 : memref<1x64xi32, #tpu.memory_space<vmem>> -> memref<64xi32, #tpu.memory_space<vmem>>
    %dma_wait3A_714 = arith.constant 0 : i32
    %dma_wait3A_715 = arith.constant 0 : i32
    %dma_wait3A_716 = tpu.memref_slice %arg7[%dma_wait3A_714, %dma_wait3A_715] : memref<128x128xf32, #tpu.memory_space<vmem_shared>> -> memref<128x128xf32, #tpu.memory_space<vmem_shared>>
    %dma_wait3A_717 = tpu.memref_slice %arg9[%dma_wait3A_707] : memref<8x!tpu.dma_semaphore, #tpu.memory_space<semaphore_mem>> -> memref<1x!tpu.dma_semaphore, #tpu.memory_space<semaphore_mem>>
    %dma_wait3A_718 = tpu.memref_squeeze %dma_wait3A_717 : memref<1x!tpu.dma_semaphore, #tpu.memory_space<semaphore_mem>> -> memref<!tpu.dma_semaphore, #tpu.memory_space<semaphore_mem>>
    tpu.wait_indirect_dma semaphore(%dma_wait3A_718 : memref<!tpu.dma_semaphore, #tpu.memory_space<semaphore_mem>>) src(%dma_wait3A_716 : memref<128x128xf32, #tpu.memory_space<vmem_shared>>) dst(%dma_wait3A_710 : memref<64x128xf32, #tpu.memory_space<vmem>>)
    %add3A_719 = arith.constant 384 : i32
    %add3A_720 = arith.addi %mul3A_2, %add3A_719 : i32
    %dma_start3A_721 = arith.constant 384 : i32
    %dma_start3A_722 = arith.constant 0 : i32
    %dma_start3A_723 = tpu.memref_slice %arg8[%dma_start3A_721, %dma_start3A_722] : memref<512x128xf32, #tpu.memory_space<vmem>> -> memref<64x128xf32, #tpu.memory_space<vmem>>
    %dma_start3A_724 = arith.constant 0 : i32
    %dma_start3A_725 = tpu.memref_slice %arg4[%add3A_720, %dma_start3A_724] : memref<16384x128xf32, #tpu.memory_space<hbm>> -> memref<64x128xf32, #tpu.memory_space<hbm>>
    %dma_start3A_726 = arith.constant 0 : i32
    %dma_start3A_727 = tpu.memref_slice %arg4[%add3A_720, %dma_start3A_726] : memref<16384x128xf32, #tpu.memory_space<hbm>> -> memref<64x128xf32, #tpu.memory_space<hbm>>
    %dma_start3A_728 = arith.constant 384 : i32
    %dma_start3A_729 = arith.constant 0 : i32
    %dma_start3A_730 = tpu.memref_slice %arg8[%dma_start3A_728, %dma_start3A_729] : memref<512x128xf32, #tpu.memory_space<vmem>> -> memref<64x128xf32, #tpu.memory_space<vmem>>
    tpu.enqueue_dma source(%dma_start3A_730 : memref<64x128xf32, #tpu.memory_space<vmem>>) target(%dma_start3A_727 : memref<64x128xf32, #tpu.memory_space<hbm>>) target_semaphore(%arg10 : memref<!tpu.dma_semaphore, #tpu.memory_space<semaphore_mem>>)
    %dma_wait3A_731 = arith.constant 7 : i32
    %dma_wait3A_732 = arith.constant 7 : i32
    %dma_wait3A_733 = arith.constant 448 : i32
    %dma_wait3A_734 = arith.constant 0 : i32
    %dma_wait3A_735 = tpu.memref_slice %arg8[%dma_wait3A_733, %dma_wait3A_734] : memref<512x128xf32, #tpu.memory_space<vmem>> -> memref<64x128xf32, #tpu.memory_space<vmem>>
    %dma_wait3A_736 = arith.constant 0 : i32
    %dma_wait3A_737 = tpu.memref_slice %arg6[%dma_wait3A_731, %dma_wait3A_736] : memref<8x64xi32, #tpu.memory_space<vmem>> -> memref<1x64xi32, #tpu.memory_space<vmem>>
    %dma_wait3A_738 = tpu.memref_squeeze %dma_wait3A_737 : memref<1x64xi32, #tpu.memory_space<vmem>> -> memref<64xi32, #tpu.memory_space<vmem>>
    %dma_wait3A_739 = arith.constant 0 : i32
    %dma_wait3A_740 = arith.constant 0 : i32
    %dma_wait3A_741 = tpu.memref_slice %arg7[%dma_wait3A_739, %dma_wait3A_740] : memref<128x128xf32, #tpu.memory_space<vmem_shared>> -> memref<128x128xf32, #tpu.memory_space<vmem_shared>>
    %dma_wait3A_742 = tpu.memref_slice %arg9[%dma_wait3A_732] : memref<8x!tpu.dma_semaphore, #tpu.memory_space<semaphore_mem>> -> memref<1x!tpu.dma_semaphore, #tpu.memory_space<semaphore_mem>>
    %dma_wait3A_743 = tpu.memref_squeeze %dma_wait3A_742 : memref<1x!tpu.dma_semaphore, #tpu.memory_space<semaphore_mem>> -> memref<!tpu.dma_semaphore, #tpu.memory_space<semaphore_mem>>
    tpu.wait_indirect_dma semaphore(%dma_wait3A_743 : memref<!tpu.dma_semaphore, #tpu.memory_space<semaphore_mem>>) src(%dma_wait3A_741 : memref<128x128xf32, #tpu.memory_space<vmem_shared>>) dst(%dma_wait3A_735 : memref<64x128xf32, #tpu.memory_space<vmem>>)
    %add3A_744 = arith.constant 448 : i32
    %add3A_745 = arith.addi %mul3A_2, %add3A_744 : i32
    %dma_start3A_746 = arith.constant 448 : i32
    %dma_start3A_747 = arith.constant 0 : i32
    %dma_start3A_748 = tpu.memref_slice %arg8[%dma_start3A_746, %dma_start3A_747] : memref<512x128xf32, #tpu.memory_space<vmem>> -> memref<64x128xf32, #tpu.memory_space<vmem>>
    %dma_start3A_749 = arith.constant 0 : i32
    %dma_start3A_750 = tpu.memref_slice %arg4[%add3A_745, %dma_start3A_749] : memref<16384x128xf32, #tpu.memory_space<hbm>> -> memref<64x128xf32, #tpu.memory_space<hbm>>
    %dma_start3A_751 = arith.constant 0 : i32
    %dma_start3A_752 = tpu.memref_slice %arg4[%add3A_745, %dma_start3A_751] : memref<16384x128xf32, #tpu.memory_space<hbm>> -> memref<64x128xf32, #tpu.memory_space<hbm>>
    %dma_start3A_753 = arith.constant 448 : i32
    %dma_start3A_754 = arith.constant 0 : i32
    %dma_start3A_755 = tpu.memref_slice %arg8[%dma_start3A_753, %dma_start3A_754] : memref<512x128xf32, #tpu.memory_space<vmem>> -> memref<64x128xf32, #tpu.memory_space<vmem>>
    tpu.enqueue_dma source(%dma_start3A_755 : memref<64x128xf32, #tpu.memory_space<vmem>>) target(%dma_start3A_752 : memref<64x128xf32, #tpu.memory_space<hbm>>) target_semaphore(%arg10 : memref<!tpu.dma_semaphore, #tpu.memory_space<semaphore_mem>>)
    %dma_wait3A_756 = arith.constant 0 : i32
    %dma_wait3A_757 = arith.constant 0 : i32
    %dma_wait3A_758 = tpu.memref_slice %arg8[%dma_wait3A_756, %dma_wait3A_757] : memref<512x128xf32, #tpu.memory_space<vmem>> -> memref<64x128xf32, #tpu.memory_space<vmem>>
    %dma_wait3A_759 = arith.constant 0 : i32
    %dma_wait3A_760 = tpu.memref_slice %arg4[%add3A_570, %dma_wait3A_759] : memref<16384x128xf32, #tpu.memory_space<hbm>> -> memref<64x128xf32, #tpu.memory_space<hbm>>
    %dma_wait3A_761 = arith.constant 0 : i32
    %dma_wait3A_762 = tpu.memref_slice %arg4[%add3A_570, %dma_wait3A_761] : memref<16384x128xf32, #tpu.memory_space<hbm>> -> memref<64x128xf32, #tpu.memory_space<hbm>>
    %dma_wait3A_763 = arith.constant 0 : i32
    %dma_wait3A_764 = arith.constant 0 : i32
    %dma_wait3A_765 = tpu.memref_slice %arg8[%dma_wait3A_763, %dma_wait3A_764] : memref<512x128xf32, #tpu.memory_space<vmem>> -> memref<64x128xf32, #tpu.memory_space<vmem>>
    tpu.wait_dma2 semaphore(%arg10 : memref<!tpu.dma_semaphore, #tpu.memory_space<semaphore_mem>>) src(%dma_wait3A_765 : memref<64x128xf32, #tpu.memory_space<vmem>>) dst(%dma_wait3A_762 : memref<64x128xf32, #tpu.memory_space<hbm>>)
    %dma_wait3A_766 = arith.constant 64 : i32
    %dma_wait3A_767 = arith.constant 0 : i32
    %dma_wait3A_768 = tpu.memref_slice %arg8[%dma_wait3A_766, %dma_wait3A_767] : memref<512x128xf32, #tpu.memory_space<vmem>> -> memref<64x128xf32, #tpu.memory_space<vmem>>
    %dma_wait3A_769 = arith.constant 0 : i32
    %dma_wait3A_770 = tpu.memref_slice %arg4[%add3A_595, %dma_wait3A_769] : memref<16384x128xf32, #tpu.memory_space<hbm>> -> memref<64x128xf32, #tpu.memory_space<hbm>>
    %dma_wait3A_771 = arith.constant 0 : i32
    %dma_wait3A_772 = tpu.memref_slice %arg4[%add3A_595, %dma_wait3A_771] : memref<16384x128xf32, #tpu.memory_space<hbm>> -> memref<64x128xf32, #tpu.memory_space<hbm>>
    %dma_wait3A_773 = arith.constant 64 : i32
    %dma_wait3A_774 = arith.constant 0 : i32
    %dma_wait3A_775 = tpu.memref_slice %arg8[%dma_wait3A_773, %dma_wait3A_774] : memref<512x128xf32, #tpu.memory_space<vmem>> -> memref<64x128xf32, #tpu.memory_space<vmem>>
    tpu.wait_dma2 semaphore(%arg10 : memref<!tpu.dma_semaphore, #tpu.memory_space<semaphore_mem>>) src(%dma_wait3A_775 : memref<64x128xf32, #tpu.memory_space<vmem>>) dst(%dma_wait3A_772 : memref<64x128xf32, #tpu.memory_space<hbm>>)
    %dma_wait3A_776 = arith.constant 128 : i32
    %dma_wait3A_777 = arith.constant 0 : i32
    %dma_wait3A_778 = tpu.memref_slice %arg8[%dma_wait3A_776, %dma_wait3A_777] : memref<512x128xf32, #tpu.memory_space<vmem>> -> memref<64x128xf32, #tpu.memory_space<vmem>>
    %dma_wait3A_779 = arith.constant 0 : i32
    %dma_wait3A_780 = tpu.memref_slice %arg4[%add3A_620, %dma_wait3A_779] : memref<16384x128xf32, #tpu.memory_space<hbm>> -> memref<64x128xf32, #tpu.memory_space<hbm>>
    %dma_wait3A_781 = arith.constant 0 : i32
    %dma_wait3A_782 = tpu.memref_slice %arg4[%add3A_620, %dma_wait3A_781] : memref<16384x128xf32, #tpu.memory_space<hbm>> -> memref<64x128xf32, #tpu.memory_space<hbm>>
    %dma_wait3A_783 = arith.constant 128 : i32
    %dma_wait3A_784 = arith.constant 0 : i32
    %dma_wait3A_785 = tpu.memref_slice %arg8[%dma_wait3A_783, %dma_wait3A_784] : memref<512x128xf32, #tpu.memory_space<vmem>> -> memref<64x128xf32, #tpu.memory_space<vmem>>
    tpu.wait_dma2 semaphore(%arg10 : memref<!tpu.dma_semaphore, #tpu.memory_space<semaphore_mem>>) src(%dma_wait3A_785 : memref<64x128xf32, #tpu.memory_space<vmem>>) dst(%dma_wait3A_782 : memref<64x128xf32, #tpu.memory_space<hbm>>)
    %dma_wait3A_786 = arith.constant 192 : i32
    %dma_wait3A_787 = arith.constant 0 : i32
    %dma_wait3A_788 = tpu.memref_slice %arg8[%dma_wait3A_786, %dma_wait3A_787] : memref<512x128xf32, #tpu.memory_space<vmem>> -> memref<64x128xf32, #tpu.memory_space<vmem>>
    %dma_wait3A_789 = arith.constant 0 : i32
    %dma_wait3A_790 = tpu.memref_slice %arg4[%add3A_645, %dma_wait3A_789] : memref<16384x128xf32, #tpu.memory_space<hbm>> -> memref<64x128xf32, #tpu.memory_space<hbm>>
    %dma_wait3A_791 = arith.constant 0 : i32
    %dma_wait3A_792 = tpu.memref_slice %arg4[%add3A_645, %dma_wait3A_791] : memref<16384x128xf32, #tpu.memory_space<hbm>> -> memref<64x128xf32, #tpu.memory_space<hbm>>
    %dma_wait3A_793 = arith.constant 192 : i32
    %dma_wait3A_794 = arith.constant 0 : i32
    %dma_wait3A_795 = tpu.memref_slice %arg8[%dma_wait3A_793, %dma_wait3A_794] : memref<512x128xf32, #tpu.memory_space<vmem>> -> memref<64x128xf32, #tpu.memory_space<vmem>>
    tpu.wait_dma2 semaphore(%arg10 : memref<!tpu.dma_semaphore, #tpu.memory_space<semaphore_mem>>) src(%dma_wait3A_795 : memref<64x128xf32, #tpu.memory_space<vmem>>) dst(%dma_wait3A_792 : memref<64x128xf32, #tpu.memory_space<hbm>>)
    %dma_wait3A_796 = arith.constant 256 : i32
    %dma_wait3A_797 = arith.constant 0 : i32
    %dma_wait3A_798 = tpu.memref_slice %arg8[%dma_wait3A_796, %dma_wait3A_797] : memref<512x128xf32, #tpu.memory_space<vmem>> -> memref<64x128xf32, #tpu.memory_space<vmem>>
    %dma_wait3A_799 = arith.constant 0 : i32
    %dma_wait3A_800 = tpu.memref_slice %arg4[%add3A_670, %dma_wait3A_799] : memref<16384x128xf32, #tpu.memory_space<hbm>> -> memref<64x128xf32, #tpu.memory_space<hbm>>
    %dma_wait3A_801 = arith.constant 0 : i32
    %dma_wait3A_802 = tpu.memref_slice %arg4[%add3A_670, %dma_wait3A_801] : memref<16384x128xf32, #tpu.memory_space<hbm>> -> memref<64x128xf32, #tpu.memory_space<hbm>>
    %dma_wait3A_803 = arith.constant 256 : i32
    %dma_wait3A_804 = arith.constant 0 : i32
    %dma_wait3A_805 = tpu.memref_slice %arg8[%dma_wait3A_803, %dma_wait3A_804] : memref<512x128xf32, #tpu.memory_space<vmem>> -> memref<64x128xf32, #tpu.memory_space<vmem>>
    tpu.wait_dma2 semaphore(%arg10 : memref<!tpu.dma_semaphore, #tpu.memory_space<semaphore_mem>>) src(%dma_wait3A_805 : memref<64x128xf32, #tpu.memory_space<vmem>>) dst(%dma_wait3A_802 : memref<64x128xf32, #tpu.memory_space<hbm>>)
    %dma_wait3A_806 = arith.constant 320 : i32
    %dma_wait3A_807 = arith.constant 0 : i32
    %dma_wait3A_808 = tpu.memref_slice %arg8[%dma_wait3A_806, %dma_wait3A_807] : memref<512x128xf32, #tpu.memory_space<vmem>> -> memref<64x128xf32, #tpu.memory_space<vmem>>
    %dma_wait3A_809 = arith.constant 0 : i32
    %dma_wait3A_810 = tpu.memref_slice %arg4[%add3A_695, %dma_wait3A_809] : memref<16384x128xf32, #tpu.memory_space<hbm>> -> memref<64x128xf32, #tpu.memory_space<hbm>>
    %dma_wait3A_811 = arith.constant 0 : i32
    %dma_wait3A_812 = tpu.memref_slice %arg4[%add3A_695, %dma_wait3A_811] : memref<16384x128xf32, #tpu.memory_space<hbm>> -> memref<64x128xf32, #tpu.memory_space<hbm>>
    %dma_wait3A_813 = arith.constant 320 : i32
    %dma_wait3A_814 = arith.constant 0 : i32
    %dma_wait3A_815 = tpu.memref_slice %arg8[%dma_wait3A_813, %dma_wait3A_814] : memref<512x128xf32, #tpu.memory_space<vmem>> -> memref<64x128xf32, #tpu.memory_space<vmem>>
    tpu.wait_dma2 semaphore(%arg10 : memref<!tpu.dma_semaphore, #tpu.memory_space<semaphore_mem>>) src(%dma_wait3A_815 : memref<64x128xf32, #tpu.memory_space<vmem>>) dst(%dma_wait3A_812 : memref<64x128xf32, #tpu.memory_space<hbm>>)
    %dma_wait3A_816 = arith.constant 384 : i32
    %dma_wait3A_817 = arith.constant 0 : i32
    %dma_wait3A_818 = tpu.memref_slice %arg8[%dma_wait3A_816, %dma_wait3A_817] : memref<512x128xf32, #tpu.memory_space<vmem>> -> memref<64x128xf32, #tpu.memory_space<vmem>>
    %dma_wait3A_819 = arith.constant 0 : i32
    %dma_wait3A_820 = tpu.memref_slice %arg4[%add3A_720, %dma_wait3A_819] : memref<16384x128xf32, #tpu.memory_space<hbm>> -> memref<64x128xf32, #tpu.memory_space<hbm>>
    %dma_wait3A_821 = arith.constant 0 : i32
    %dma_wait3A_822 = tpu.memref_slice %arg4[%add3A_720, %dma_wait3A_821] : memref<16384x128xf32, #tpu.memory_space<hbm>> -> memref<64x128xf32, #tpu.memory_space<hbm>>
    %dma_wait3A_823 = arith.constant 384 : i32
    %dma_wait3A_824 = arith.constant 0 : i32
    %dma_wait3A_825 = tpu.memref_slice %arg8[%dma_wait3A_823, %dma_wait3A_824] : memref<512x128xf32, #tpu.memory_space<vmem>> -> memref<64x128xf32, #tpu.memory_space<vmem>>
    tpu.wait_dma2 semaphore(%arg10 : memref<!tpu.dma_semaphore, #tpu.memory_space<semaphore_mem>>) src(%dma_wait3A_825 : memref<64x128xf32, #tpu.memory_space<vmem>>) dst(%dma_wait3A_822 : memref<64x128xf32, #tpu.memory_space<hbm>>)
    %dma_wait3A_826 = arith.constant 448 : i32
    %dma_wait3A_827 = arith.constant 0 : i32
    %dma_wait3A_828 = tpu.memref_slice %arg8[%dma_wait3A_826, %dma_wait3A_827] : memref<512x128xf32, #tpu.memory_space<vmem>> -> memref<64x128xf32, #tpu.memory_space<vmem>>
    %dma_wait3A_829 = arith.constant 0 : i32
    %dma_wait3A_830 = tpu.memref_slice %arg4[%add3A_745, %dma_wait3A_829] : memref<16384x128xf32, #tpu.memory_space<hbm>> -> memref<64x128xf32, #tpu.memory_space<hbm>>
    %dma_wait3A_831 = arith.constant 0 : i32
    %dma_wait3A_832 = tpu.memref_slice %arg4[%add3A_745, %dma_wait3A_831] : memref<16384x128xf32, #tpu.memory_space<hbm>> -> memref<64x128xf32, #tpu.memory_space<hbm>>
    %dma_wait3A_833 = arith.constant 448 : i32
    %dma_wait3A_834 = arith.constant 0 : i32
    %dma_wait3A_835 = tpu.memref_slice %arg8[%dma_wait3A_833, %dma_wait3A_834] : memref<512x128xf32, #tpu.memory_space<vmem>> -> memref<64x128xf32, #tpu.memory_space<vmem>>
    tpu.wait_dma2 semaphore(%arg10 : memref<!tpu.dma_semaphore, #tpu.memory_space<semaphore_mem>>) src(%dma_wait3A_835 : memref<64x128xf32, #tpu.memory_space<vmem>>) dst(%dma_wait3A_832 : memref<64x128xf32, #tpu.memory_space<hbm>>)
    return
  }
}

</mosaic_0001>

<sc_bundles>
// kernel: kernel.3.cloned.1.call-start
scs
__scs_entry_jumppad:
0x0: {  	(pc) =	sbr.rel $0x88, $3  }
0x1: {  	(tag) =	ssettag $0x0;
	lr =	simm.s32 $0x1  }
0x2: {  	[smem:$0x3F9F] =	sst lr;
	_ =	strace $0xD0000000  }
0x3: {  	_ = 	snop  }
0x4: {  	_ = 	snop  }
0x5: {  	_ = 	snop  }
0x6: {  	_ = 	snop  }
0x7: {  	_ = 	snop  }
__scs_overlays_trampoline_lowered:
0x8: {  	[smem:$0x3FAE] =	sst s0  }
0x9: {  	[smem:$0x3FAF] =	sst s1  }
0xa: {  	[smem:$0x3FB0] =	sst s2  }
0xb: {  	[smem:$0x3FB1] =	sst s3  }
0xc: {  	[smem:$0x3FB2] =	sst s4  }
0xd: {  	[smem:$0x3FB3] =	sst s5  }
0xe: {  	[smem:$0x3FB4] =	sst s6  }
0xf: {  	[smem:$0x3FB5] =	sst s7  }
0x10: {  	[smem:$0x3FB6] =	sst s8  }
0x11: {  	[smem:$0x3FB7] =	sst s9;
	s0 =	simm.s32 @!p0 $0x0  }
0x12: {  	s1 =	sld [smem:$0x3F9D];
	s0 =	simm.s32 @p0 $0x1  }
0x13: {  	[smem:$0x3FB8] =	sst s0;
	s0 =	simm.s32 @!p1 $0x0  }
0x14: {  	s2 =	sld [smem:$0x3F9C];
	s0 =	simm.s32 @p1 $0x1  }
0x15: {  	[smem:$0x3FB9] =	sst s0;
	s0 =	simm.s32 @!p2 $0x0  }
0x16: {  	s3 =	sld [smem:$0x3FDB];
	s0 =	simm.s32 @p2 $0x1  }
0x17: {  	s4 =	simm.s32 $0x1BF5;
	[smem:$0x3FBB] =	sst s0  }
0x18: {  	s0 =	sld [smem:$0x3F9E];
	_ =	swait.ge [sflag:s4], $0x0  }
0x19: {  	s7 =	sld [smem:$0x3F9F]  }
0x1a: {  	s8 =	sadd.s32 $0xFFFFE003, lr  }
0x1b: {  	s9 =	sadd.s32 $0xFFFFFEF7, lr;
	s5 =	simm.s32 $0xFFFFFFFF;
	p2 =	slt.u32 s8, $0xFFFFF086  }
0x1c: {  	p1 =	slt.u32 s9, $0xF7A;
	s5 =	simm.s32 @!p2 $0x0  }
0x1d: {  	s5 =	simm.s32 @p1 $0x1;
	p0 =	seq.s32 s7, s2  }
0x1e: {  	s7 =	smul.u32 @!p0 $0xF7A, s2;
	p2 =	seq.s32 @!p0 s5, $0x0  }
0x1f: {  	s9 =	smul.u32 $0xF7A, s1;
	s8 =	simm.s32 @!p0 $0x1BF5;
	p2 =	por !p2, p0  }
0x20: {  	[sflag:s8] =	ssyncset.s32 @!p0 $0xFFFFF086;
	s6 =	sadd.s32 @!p0 s3, s7;
	s7 =	simm.s32 @!p0 $0x108  }
0x21: {  	s3 =	sadd.s32 s3, s9;
	s6 =	sadd.s32 @!p0 $0x88, s6;
	s7 =	simm.s32 @p2 $0x1082  }
0x22: {  	[simem:s7], [sflag:s8] =	dma.local @!p0 [hbm:s6], $0xF7A  }
0x23: {  	s9 =	sor.u32 $0xD0000000, s2;
	s6 =	simm.s32 $0x108;
	_ =	swait.ge @!p0 [sflag:s8], $0x0  }
0x24: {  	s3 =	sadd.s32 $0x88, s3;
	s6 =	simm.s32 @!p1 $0x1082;
	[sflag:s4] =	ssyncset.s32 $0xFFFFF086  }
0x25: {  	[simem:s6], [sflag:s4] =	dma.local [hbm:s3], $0xF7A  }
0x26: {  	[smem:$0x3F9F] =	sst s1;
	(tag) =	ssettag s2;
	_ =	strace s9  }
0x27: {  	s1 =	sld [smem:$0x3FAF]  }
0x28: {  	s2 =	sld [smem:$0x3FB0]  }
0x29: {  	s4 =	sld [smem:$0x3FB2]  }
0x2a: {  	p0 =	seq.s32 s5, $0x0;
	s5 =	sld [smem:$0x3FB3]  }
0x2b: {  	s6 =	sld [smem:$0x3FB4]  }
0x2c: {  	s7 =	sld [smem:$0x3FB5]  }
0x2d: {  	s3 =	simm.s32 $0x108;
	s8 =	sld [smem:$0x3FB6]  }
0x2e: {  	s3 =	simm.s32 @!p0 $0x1082;
	s9 =	sld [smem:$0x3FB7]  }
0x2f: {  	lr =	sadd.s32 s0, s3;
	s0 =	sld [smem:$0x3FAE]  }
0x30: {  	s3 =	sld [smem:$0x3FB1]  }
0x31: {  	[smem:$0x3FBA] =	sst s10  }
0x32: {  	s10 =	sld [smem:$0x3FB8];
	_ =	sdelay $0x3  }
0x33: {  	p0 =	seq.s32 s10, $0x1;
	s10 =	sld [smem:$0x3FBA];
	_ =	sdelay $0x3  }
0x34: {  	[smem:$0x3FBA] =	sst s10  }
0x35: {  	s10 =	sld [smem:$0x3FB9];
	_ =	sdelay $0x3  }
0x36: {  	p1 =	seq.s32 s10, $0x1;
	s10 =	sld [smem:$0x3FBA];
	_ =	sdelay $0x3  }
0x37: {  	[smem:$0x3FBA] =	sst s10  }
0x38: {  	s10 =	sld [smem:$0x3FBB]  }
0x39: {  	_ = 	snop;
	(pc) =	sbr.ind lr, $3  }
0x3a: {  	_ = 	snop  }
0x3b: {  	_ = 	snop  }
0x3c: {  	p2 =	seq.s32 s10, $0x1;
	s10 =	sld [smem:$0x3FBA]  }
0x3d: {  	_ =	shalt  }
0x3e: {  	_ =	shalt  }
0x3f: {  	_ =	shalt  }
0x40: {  	_ =	shalt  }
0x41: {  	_ =	shalt  }
0x42: {  	_ =	shalt  }
0x43: {  	_ =	shalt  }
0x44: {  	_ =	shalt  }
0x45: {  	_ =	shalt  }
0x46: {  	_ =	shalt  }
0x47: {  	_ =	shalt  }
0x48: {  	_ =	shalt  }
0x49: {  	_ =	shalt  }
0x4a: {  	_ =	shalt  }
0x4b: {  	_ =	shalt  }
0x4c: {  	_ =	shalt  }
0x4d: {  	_ =	shalt  }
0x4e: {  	_ =	shalt  }
0x4f: {  	_ =	shalt  }
0x50: {  	_ =	shalt  }
0x51: {  	_ =	shalt  }
0x52: {  	_ =	shalt  }
0x53: {  	_ =	shalt  }
0x54: {  	_ =	shalt  }
0x55: {  	_ =	shalt  }
0x56: {  	_ =	shalt  }
0x57: {  	_ =	shalt  }
0x58: {  	_ =	shalt  }
0x59: {  	_ =	shalt  }
0x5a: {  	_ =	shalt  }
0x5b: {  	_ =	shalt  }
0x5c: {  	_ =	shalt  }
0x5d: {  	_ =	shalt  }
0x5e: {  	_ =	shalt  }
0x5f: {  	_ =	shalt  }
0x60: {  	_ =	shalt  }
0x61: {  	_ =	shalt  }
0x62: {  	_ =	shalt  }
0x63: {  	_ =	shalt  }
0x64: {  	_ =	shalt  }
0x65: {  	_ =	shalt  }
0x66: {  	_ =	shalt  }
0x67: {  	_ =	shalt  }
0x68: {  	_ =	shalt  }
0x69: {  	_ =	shalt  }
0x6a: {  	_ =	shalt  }
0x6b: {  	_ =	shalt  }
0x6c: {  	_ =	shalt  }
0x6d: {  	_ =	shalt  }
0x6e: {  	_ =	shalt  }
0x6f: {  	_ =	shalt  }
0x70: {  	_ =	shalt  }
0x71: {  	_ =	shalt  }
0x72: {  	_ =	shalt  }
0x73: {  	_ =	shalt  }
0x74: {  	_ =	shalt  }
0x75: {  	_ =	shalt  }
0x76: {  	_ =	shalt  }
0x77: {  	_ =	shalt  }
0x78: {  	_ =	shalt  }
0x79: {  	_ =	shalt  }
0x7a: {  	_ =	shalt  }
0x7b: {  	_ =	shalt  }
0x7c: {  	_ =	shalt  }
0x7d: {  	_ =	shalt  }
0x7e: {  	_ =	shalt  }
0x7f: {  	_ =	shalt  }
0x80: {  	_ =	shalt  }
0x81: {  	_ =	shalt  }
0x82: {  	_ =	shalt  }
0x83: {  	_ =	shalt  }
0x84: {  	_ =	shalt  }
0x85: {  	_ =	shalt  }
0x86: {  	_ =	shalt  }
0x87: {  	_ =	shalt  }
.Lfunc_end0:
.L_simem_size_0:
called_computation_lowered:
.L_overlay_start_0:
0x88: {  	s2 =	sld [smem:$0x3FD9]  }
0x89: {  	s3 =	sld [smem:$0x3FFE];
	_ =	sdelay $0x1  }
0x8a: {  	s1 =	srdreg.scid  }
0x8b: {  	s0 =	sand.u32 $0x1, s1  }
0x8c: {  	s18 =	sshll.u32 s0, $0xA;
	s2 =	sadd.s32 s3, s2  }
0x8d: {  	s2 =	sadd.s32 s2, s18  }
0x8e: {  	[smem:$0x3FC6] =	sst s2  }
0x8f: {  	_ = 	snop  }
0x90: {  	s2 =	sld [smem:$0x3FC9]  }
0x91: {  	s19 =	sld [smem:$0x3FC8]  }
0x92: {  	s4 =	sld [smem:$0x3FD0];
	(tm) =	ssettm $0x1  }
0x93: {  	s5 =	sld [smem:$0x3FFB];
	_ =	sdelay $0x3  }
0x94: {  	_ =	strace s5  }
0x95: {  	s5 =	sld [smem:$0x3FFC];
	_ =	sdelay $0x3  }
0x96: {  	_ =	strace s5  }
0x97: {  	s5 =	sld [smem:$0x3FFD];
	_ =	sdelay $0x3  }
0x98: {  	_ =	strace s5  }
0x99: {  	_ =	strace $0x8FFFFFFF  }
0x9a: {  	s20 =	sld [smem:$0x3FDB];
	_ =	sdelay $0x1  }
0x9b: {  	s6 =	simm.s32 $_scs_section_size  }
0x9c: {  	s7 =	simm.s32 $_size__tile_overlayer_lowered;
	s8 =	simm.s32 $_tile_overlayer_lowered  }
0x9d: {  	s23 =	simm.s32 $0x1BFF;
	s22 =	sshll.u32 s8, $0x1;
	s5 =	sadd.s32 s6, s20  }
0x9e: {  	s9 =	simm.s32 $0x0;
	s21 =	sshll.u32 s7, $0x1;
	s7 =	sadd.s32 s22, s5  }
0x9f: {  	[timem:s9], [sflag:s23] =	dma.local [hbm:s7], s21  }
0xa0: {  	_ =	swait.ge [sflag:s23], s21  }
0xa1: {  	s6 =	ssub.s32 $0x0, s21;
	[sflag:s23] =	ssyncset.done $0x0  }
0xa2: {  	[sflag:s23] =	ssyncadd.s32 s6;
	_ =	sdelay $0x1  }
0xa3: {  	s24 =	simm.s32 $0x1B8B  }
0xa4: {  	_ =	swait.ge [sflag:s24], $0x1  }
0xa5: {  	[sflag:s24] =	ssyncset.done $0x0  }
0xa6: {  	s25 =	simm.s32 $0x1B8E;
	[sflag:s24] =	ssyncadd.s32 $0xFFFFFFFF  }
0xa7: {  	s26 =	simm.s32 $execute0_lowered;
	[smem:$0x3FD2] =	sst s25  }
0xa8: {  	s6 =	sshll.u32 s26, $0x1;
	_ =	strace $0x80000046;
	[dreg:$0x1] =	wrdreg $0xFFFFFFFF  }
0xa9: {  	s28 =	simm.s32 $_size_execute0_lowered;
	s5 =	sadd.s32 s5, s6;
	[dreg:$0x0] =	wrdreg $0x0  }
0xaa: {  	s6 =	sshll.u32 s28, $0x1;
	[dreg:$0x2] =	wrdreg s5  }
0xab: {  	[dreg:$0x3] =	wrdreg s6  }
0xac: {  	[dreg:$0x4] =	wrdreg $0xC0  }
0xad: {  	_ =	task [dreg:s9], $0x5FFFF  }
0xae: {  	[dreg:$0x1] =	wrdreg $0xFFFFFFFF  }
0xaf: {  	[dreg:$0x0] =	wrdreg $0x60  }
0xb0: {  	[dreg:$0x2] =	wrdreg s2  }
0xb1: {  	[dreg:$0x3] =	wrdreg s19  }
0xb2: {  	[dreg:$0x4] =	wrdreg s4  }
0xb3: {  	[dreg:$0x5] =	wrdreg $0x6000  }
0xb4: {  	[dreg:$0x6] =	wrdreg $0x9  }
0xb5: {  	_ =	task.clear_ibuf [dreg:s9], $0x7FFFF;
	_ =	strace $0x90000046  }
0xb6: {  	s29 =	simm.s32 $0x9;
	_ =	strace $0x80000048  }
0xb7: {  	_ =	swait.ge [sflag:s29], $0x1  }
0xb8: {  	[sflag:s29] =	ssyncadd.s32 $0xFFFFFFFF  }
0xb9: {  	_ =	strace $0x90000048  }
0xba: {  	_ =	sfence  }
0xbb: {  	s30 =	sld [smem:$0x0];
	_ =	sdelay $0x2  }
0xbc: {  	s31 =	sshll.u32 s1, $0xD;
	s1 =	sshrl.u32 s1, $0x2  }
0xbd: {  	s3 =	sand.u32 $0x4000, s31;
	s1 =	sadd.s32 s1, s30  }
0xbe: {  	s0 =	sor.u32 s3, s0;
	s1 =	sshll.u32 s1, $0x11  }
0xbf: {  	s0 =	sor.u32 s1, s0  }
0xc0: {  	s0 =	sadd.s32 $0x8F2B, s0  }
0xc1: {  	[sflag:s0] =	ssyncadd.remote.s32 $0x1  }
0xc2: {  	_ =	sfence.sel $0xFFFF  }
0xc3: {  	[dreg:$0x0] =	wrdreg $0xFFFFFFFF;
	(pc) =	sbr.abs _section_cstart, $3  }
0xc4: {  	[dreg:$0x1] =	wrdreg $0xFFFFFFFF  }
0xc5: {  	_ =	task.clear_ibuf [dreg:s9], $0x2FFFF;
	_ =	strace $0x9FFFFFFF  }
0xc6: {  	(tm) =	ssettm $0x7FFFFFFF  }
0xc7: {  	_ =	shalt  }
tec
execute0_lowered:
.L_overlay_start_1:
0x0: {  	(tag) =	ssettag $0x1  }
0x1: {  	s0 =	rddreg [dreg:$0x0]  }
0x2: {  	s1 =	rddreg [dreg:$0x1]  }
0x3: {  	s8 =	srdreg.scid;
	s3 =	rddreg [dreg:$0x2]  }
0x4: {  	s4 =	stileid.u32;
	s2 =	rddreg [dreg:$0x3]  }
0x5: {  	s16 =	simm.s32 $0x200;
	s17 =	simm.s32 $0x280;
	s19 =	simm.s32 $0x300  }
0x6: {  	[dreg:$0x5] =	wrdreg s1;
	s20 =	sand.u32 $0x1, s8;
	s1 =	simm.s32 $0x0  }
0x7: {  	s5 =	sshll.u32 s4, $0xA;
	s6 =	sshll.u32 s20, $0x9;
	[smem:$0x7FF] =	sst s1  }
0x8: {  	s5 =	sor.u32 s6, s5;
	_ =	strace $0x80000047;
	[dreg:$0xf] =	wrdreg s16  }
0x9: {  	[dreg:$0x10] =	wrdreg s17;
	s6 =	sshrl.u32 s5, $0x3;
	s5 =	sshll.u32 s5, $0x4  }
0xa: {  	[dreg:$0x11] =	wrdreg s19;
	s0 =	sadd.s32 s0, s6;
	s3 =	sadd.s32 s3, s5  }
0xb: {  	[dreg:$0x6] =	wrdreg s0;
	s9 =	sadd.s32 $0x400, s3  }
0xc: {  	s10 =	sadd.s32 $0x800, s3;
	[dreg:$0x7] =	wrdreg s9  }
0xd: {  	v0 =	vimm.f32 $1.000000000e+01;
	s11 =	sadd.s32 $0xC00, s3;
	[dreg:$0x8] =	wrdreg s10  }
0xe: {  	(erf) = vrcp.f32 v0;
	s12 =	sadd.s32 $0x1000, s3;
	[dreg:$0x9] =	wrdreg s11  }
0xf: {  	s13 =	sadd.s32 $0x1400, s3;
	[dreg:$0xa] =	wrdreg s12  }
0x10: {  	s14 =	sadd.s32 $0x1800, s3;
	[dreg:$0xb] =	wrdreg s13  }
0x11: {  	p0 =	sne.s32 s4, $0x0;
	s15 =	sadd.s32 $0x1C00, s3;
	[dreg:$0xc] =	wrdreg s14  }
0x12: {  	s0 =	sshrl.u32 @!p0 s2, $0x3;
	[dreg:$0xd] =	wrdreg s15  }
0x13: {  	[dreg:$0xe] =	wrdreg s0  }
0x14: {  	s0 =	rddreg [dreg:$0x5]  }
0x15: {  	s18 =	rddreg [dreg:$0x6]  }
0x16: {  	s4 =	simm.s32 @!p0 $0x1C0B;
	s5 =	simm.s32 @!p0 $0xB;
	s7 =	rddreg [dreg:$0xe]  }
0x17: {  	[tilespmem:s1], [sflag:$0xA] =	stream.linear.gather [hbm4b:s18+s1], $0x200, $0x38;
	v0 =	vpop (erf);
	[tilespmem:$0x10A00] =	vst v63  }
0x18: {  	[spmem:s7], [sflag:s4] =	dma.local @!p0 [hbm:s0], $0x800  }
0x19: {  	_ =	swait.ge @!p0 [sflag:s5], $0x800  }
0x1a: {  	[sflag:s5] =	ssyncset.done @!p0 $0x0  }
0x1b: {  	[sflag:s5] =	ssyncadd.s32 @!p0 $0xFFFFF800  }
0x1c: {  	s6 =	simm.s32 $0xA;
	[bflag:$0x0] =	sbarrier.arrive $0xFFFF  }
0x1d: {  	_ =	swait.ge [sflag:s6], $0x200  }
0x1e: {  	[sflag:s6] =	ssyncset.done $0x0  }
0x1f: {  	[sflag:s6] =	ssyncadd.s32 $0xFFFFFE00  }
0x20: {  	v1 =	vld [tilespmem:$0x0]  }
0x21: {  	v2 =	vld [tilespmem:$0x10]  }
0x22: {  	v3 =	vld [tilespmem:$0x20]  }
0x23: {  	v4 =	vld [tilespmem:$0x30];
	_ =	sdelay $0x2  }
0x24: {  	v2 =	vcvt.s32.f32 v2  }
0x25: {  	v1 =	vcvt.s32.f32 v1;
	v3 =	vcvt.s32.f32 v3  }
0x26: {  	v4 =	vcvt.s32.f32 v4;
	v2 =	vmul.f32 v2, v0  }
0x27: {  	v1 =	vmul.f32 v1, v0;
	v3 =	vmul.f32 v3, v0  }
0x28: {  	v4 =	vmul.f32 v4, v0;
	v2 =	vtrunc.f32 v2  }
0x29: {  	v1 =	vtrunc.f32 v1;
	v2 =	vcvt.f32.s32 v2  }
0x2a: {  	v3 =	vtrunc.f32 v3;
	v1 =	vcvt.f32.s32 v1  }
0x2b: {  	v4 =	vtrunc.f32 v4;
	[tilespmem:$0x210] =	vst v2;
	v2 =	vcvt.f32.s32 v3  }
0x2c: {  	v3 =	vcvt.f32.s32 v4;
	[tilespmem:$0x200] =	vst v1  }
0x2d: {  	[tilespmem:$0x220] =	vst v2  }
0x2e: {  	s8 =	simm.s32 $0xA00;
	s7 =	simm.s32 $0x40;
	s21 =	rddreg [dreg:$0xf];
	[tilespmem:$0x230] =	vst v3  }
0x2f: {  	[tilespmem:s8], [sflag:$0x1] =	stream.indirect.gather [spmem:s2], $0x80, s21, s7, $0xb8;
	[tilespmem:$0x10A00] =	vst v63  }
0x30: {  	v1 =	vld [tilespmem:$0x40]  }
0x31: {  	v2 =	vld [tilespmem:$0x50]  }
0x32: {  	v3 =	vld [tilespmem:$0x60]  }
0x33: {  	v57 =	vld [tilespmem:$0x70];
	_ =	sdelay $0x2  }
0x34: {  	v2 =	vcvt.s32.f32 v2  }
0x35: {  	v1 =	vcvt.s32.f32 v1;
	v3 =	vcvt.s32.f32 v3  }
0x36: {  	v4 =	vcvt.s32.f32 v57;
	v2 =	vmul.f32 v2, v0  }
0x37: {  	v1 =	vmul.f32 v1, v0;
	v3 =	vmul.f32 v3, v0  }
0x38: {  	v4 =	vmul.f32 v4, v0;
	v2 =	vtrunc.f32 v2  }
0x39: {  	v3 =	vtrunc.f32 v3;
	v2 =	vcvt.f32.s32 v2  }
0x3a: {  	v1 =	vtrunc.f32 v1;
	v3 =	vcvt.f32.s32 v3  }
0x3b: {  	v4 =	vtrunc.f32 v4;
	v1 =	vcvt.f32.s32 v1;
	[tilespmem:$0x290] =	vst v2  }
0x3c: {  	v2 =	vcvt.f32.s32 v4;
	[tilespmem:$0x2A0] =	vst v3  }
0x3d: {  	[tilespmem:$0x280] =	vst v1  }
0x3e: {  	s9 =	simm.s32 $0x2A00;
	s22 =	rddreg [dreg:$0x10];
	[tilespmem:$0x2B0] =	vst v2  }
0x3f: {  	[tilespmem:s9], [sflag:$0x2] =	stream.indirect.gather [spmem:s2], $0x80, s22, s7, $0xb8;
	[tilespmem:$0x10A00] =	vst v63  }
0x40: {  	v1 =	vld [tilespmem:$0x90]  }
0x41: {  	v2 =	vld [tilespmem:$0xA0]  }
0x42: {  	v3 =	vld [tilespmem:$0x80]  }
0x43: {  	v58 =	vld [tilespmem:$0xB0];
	_ =	sdelay $0x2  }
0x44: {  	v2 =	vcvt.s32.f32 v2  }
0x45: {  	v1 =	vcvt.s32.f32 v1;
	v3 =	vcvt.s32.f32 v3  }
0x46: {  	v4 =	vcvt.s32.f32 v58;
	v2 =	vmul.f32 v2, v0  }
0x47: {  	v1 =	vmul.f32 v1, v0;
	v3 =	vmul.f32 v3, v0  }
0x48: {  	v4 =	vmul.f32 v4, v0;
	v2 =	vtrunc.f32 v2  }
0x49: {  	v1 =	vtrunc.f32 v1;
	v2 =	vcvt.f32.s32 v2  }
0x4a: {  	v3 =	vtrunc.f32 v3;
	v1 =	vcvt.f32.s32 v1  }
0x4b: {  	v4 =	vtrunc.f32 v4;
	v3 =	vcvt.f32.s32 v3;
	[tilespmem:$0x320] =	vst v2  }
0x4c: {  	v2 =	vcvt.f32.s32 v4;
	[tilespmem:$0x310] =	vst v1  }
0x4d: {  	[tilespmem:$0x300] =	vst v3  }
0x4e: {  	s10 =	simm.s32 $0x4A00;
	s23 =	rddreg [dreg:$0x11];
	[tilespmem:$0x330] =	vst v2  }
0x4f: {  	[tilespmem:s10], [sflag:$0x3] =	stream.indirect.gather [spmem:s2], $0x80, s23, s7, $0xb8;
	[tilespmem:$0x10A00] =	vst v63  }
0x50: {  	v1 =	vld [tilespmem:$0xC0]  }
0x51: {  	v2 =	vld [tilespmem:$0xD0]  }
0x52: {  	v3 =	vld [tilespmem:$0xE0]  }
0x53: {  	v59 =	vld [tilespmem:$0xF0];
	_ =	sdelay $0x2  }
0x54: {  	v2 =	vcvt.s32.f32 v2  }
0x55: {  	v1 =	vcvt.s32.f32 v1;
	v3 =	vcvt.s32.f32 v3  }
0x56: {  	v4 =	vcvt.s32.f32 v59;
	v2 =	vmul.f32 v2, v0  }
0x57: {  	v1 =	vmul.f32 v1, v0;
	v3 =	vmul.f32 v3, v0  }
0x58: {  	v4 =	vmul.f32 v4, v0;
	v2 =	vtrunc.f32 v2  }
0x59: {  	v1 =	vtrunc.f32 v1;
	v2 =	vcvt.f32.s32 v2  }
0x5a: {  	v3 =	vtrunc.f32 v3;
	v1 =	vcvt.f32.s32 v1  }
0x5b: {  	v4 =	vtrunc.f32 v4;
	v3 =	vcvt.f32.s32 v3;
	[tilespmem:$0x390] =	vst v2  }
0x5c: {  	v2 =	vcvt.f32.s32 v4;
	[tilespmem:$0x380] =	vst v1  }
0x5d: {  	[tilespmem:$0x3A0] =	vst v3  }
0x5e: {  	s24 =	simm.s32 $0x380;
	s12 =	simm.s32 $0x6A00;
	[tilespmem:$0x3B0] =	vst v2  }
0x5f: {  	[tilespmem:s12], [sflag:$0x4] =	stream.indirect.gather [spmem:s2], $0x80, s24, s7, $0xb8;
	[tilespmem:$0x10A00] =	vst v63  }
0x60: {  	v1 =	vld [tilespmem:$0x110]  }
0x61: {  	v2 =	vld [tilespmem:$0x120]  }
0x62: {  	v3 =	vld [tilespmem:$0x100]  }
0x63: {  	v60 =	vld [tilespmem:$0x130];
	_ =	sdelay $0x2  }
0x64: {  	v1 =	vcvt.s32.f32 v1  }
0x65: {  	v2 =	vcvt.s32.f32 v2;
	v3 =	vcvt.s32.f32 v3  }
0x66: {  	v4 =	vcvt.s32.f32 v60;
	v1 =	vmul.f32 v1, v0  }
0x67: {  	v2 =	vmul.f32 v2, v0;
	v3 =	vmul.f32 v3, v0  }
0x68: {  	v4 =	vmul.f32 v4, v0;
	v1 =	vtrunc.f32 v1  }
0x69: {  	v2 =	vtrunc.f32 v2;
	v1 =	vcvt.f32.s32 v1  }
0x6a: {  	v3 =	vtrunc.f32 v3;
	v2 =	vcvt.f32.s32 v2  }
0x6b: {  	v3 =	vcvt.f32.s32 v3;
	[tilespmem:$0x410] =	vst v1;
	v1 =	vtrunc.f32 v4  }
0x6c: {  	[tilespmem:$0x420] =	vst v2;
	v1 =	vcvt.f32.s32 v1  }
0x6d: {  	[tilespmem:$0x400] =	vst v3  }
0x6e: {  	s14 =	simm.s32 $0x400;
	s13 =	simm.s32 $0x8A00;
	[tilespmem:$0x430] =	vst v1  }
0x6f: {  	[tilespmem:s13], [sflag:$0x5] =	stream.indirect.gather [spmem:s2], $0x80, s14, s7, $0xb8;
	[tilespmem:$0x10A00] =	vst v63  }
0x70: {  	v1 =	vld [tilespmem:$0x140]  }
0x71: {  	v2 =	vld [tilespmem:$0x150]  }
0x72: {  	v3 =	vld [tilespmem:$0x160]  }
0x73: {  	v61 =	vld [tilespmem:$0x170];
	_ =	sdelay $0x2  }
0x74: {  	v2 =	vcvt.s32.f32 v2  }
0x75: {  	v1 =	vcvt.s32.f32 v1;
	v3 =	vcvt.s32.f32 v3  }
0x76: {  	v4 =	vcvt.s32.f32 v61;
	v2 =	vmul.f32 v2, v0  }
0x77: {  	v1 =	vmul.f32 v1, v0;
	v3 =	vmul.f32 v3, v0  }
0x78: {  	v4 =	vmul.f32 v4, v0;
	v2 =	vtrunc.f32 v2  }
0x79: {  	v1 =	vtrunc.f32 v1;
	v2 =	vcvt.f32.s32 v2  }
0x7a: {  	v3 =	vtrunc.f32 v3;
	v1 =	vcvt.f32.s32 v1  }
0x7b: {  	[tilespmem:$0x490] =	vst v2;
	v2 =	vcvt.f32.s32 v3;
	v3 =	vtrunc.f32 v4  }
0x7c: {  	[tilespmem:$0x480] =	vst v1;
	v1 =	vcvt.f32.s32 v3  }
0x7d: {  	[tilespmem:$0x4A0] =	vst v2  }
0x7e: {  	s16 =	simm.s32 $0x480;
	s15 =	simm.s32 $0xAA00;
	[tilespmem:$0x4B0] =	vst v1  }
0x7f: {  	[tilespmem:s15], [sflag:$0x6] =	stream.indirect.gather [spmem:s2], $0x80, s16, s7, $0xb8;
	[tilespmem:$0x10A00] =	vst v63  }
0x80: {  	v1 =	vld [tilespmem:$0x180]  }
0x81: {  	v2 =	vld [tilespmem:$0x190]  }
0x82: {  	v3 =	vld [tilespmem:$0x1B0]  }
0x83: {  	v62 =	vld [tilespmem:$0x1A0];
	_ =	sdelay $0x2  }
0x84: {  	v2 =	vcvt.s32.f32 v2  }
0x85: {  	v1 =	vcvt.s32.f32 v1;
	v3 =	vcvt.s32.f32 v3  }
0x86: {  	v4 =	vcvt.s32.f32 v62;
	v2 =	vmul.f32 v2, v0  }
0x87: {  	v1 =	vmul.f32 v1, v0;
	v3 =	vmul.f32 v3, v0  }
0x88: {  	v4 =	vmul.f32 v4, v0;
	v2 =	vtrunc.f32 v2  }
0x89: {  	v3 =	vtrunc.f32 v3;
	v2 =	vcvt.f32.s32 v2  }
0x8a: {  	v1 =	vtrunc.f32 v1;
	v3 =	vcvt.f32.s32 v3  }
0x8b: {  	v4 =	vtrunc.f32 v4;
	v1 =	vcvt.f32.s32 v1;
	[tilespmem:$0x510] =	vst v2  }
0x8c: {  	v2 =	vcvt.f32.s32 v4;
	[tilespmem:$0x530] =	vst v3  }
0x8d: {  	[tilespmem:$0x500] =	vst v1  }
0x8e: {  	s17 =	simm.s32 $0xCA00;
	s18 =	simm.s32 $0x500;
	[tilespmem:$0x520] =	vst v2  }
0x8f: {  	[tilespmem:s17], [sflag:$0x7] =	stream.indirect.gather [spmem:s2], $0x80, s18, s7, $0xb8;
	[tilespmem:$0x10A00] =	vst v63  }
0x90: {  	v1 =	vld [tilespmem:$0x1C0]  }
0x91: {  	v2 =	vld [tilespmem:$0x1D0]  }
0x92: {  	v3 =	vld [tilespmem:$0x1E0]  }
0x93: {  	v63 =	vld [tilespmem:$0x1F0];
	_ =	sdelay $0x2  }
0x94: {  	v2 =	vcvt.s32.f32 v2  }
0x95: {  	v1 =	vcvt.s32.f32 v1;
	v3 =	vcvt.s32.f32 v3  }
0x96: {  	v4 =	vcvt.s32.f32 v63;
	v2 =	vmul.f32 v2, v0  }
0x97: {  	v1 =	vmul.f32 v1, v0;
	v3 =	vmul.f32 v3, v0  }
0x98: {  	v4 =	vmul.f32 v4, v0;
	v2 =	vtrunc.f32 v2  }
0x99: {  	v3 =	vtrunc.f32 v3;
	v2 =	vcvt.f32.s32 v2  }
0x9a: {  	v1 =	vtrunc.f32 v1;
	v3 =	vcvt.f32.s32 v3  }
0x9b: {  	v4 =	vtrunc.f32 v4;
	v1 =	vcvt.f32.s32 v1;
	[tilespmem:$0x590] =	vst v2  }
0x9c: {  	v2 =	vcvt.f32.s32 v4;
	[tilespmem:$0x5A0] =	vst v3  }
0x9d: {  	[tilespmem:$0x580] =	vst v1  }
0x9e: {  	s19 =	simm.s32 $0xEA00;
	s21 =	simm.s32 $0x580;
	s22 =	simm.s32 $0x1;
	[tilespmem:$0x5B0] =	vst v2  }
0x9f: {  	[tilespmem:s19], [sflag:$0x8] =	stream.indirect.gather [spmem:s2], $0x80, s21, s7, $0xb8;
	[tilespmem:$0x10A00] =	vst v63  }
0xa0: {  	_ =	swait.ge [sflag:s22], $0x2000  }
0xa1: {  	[sflag:s22] =	ssyncset.done $0x0  }
0xa2: {  	s23 =	simm.s32 $0x2;
	[sflag:s22] =	ssyncadd.s32 $0xFFFFE000  }
0xa3: {  	[hbm4b:s3+s1] =	stream.linear.scatter [tilespmem:s8], [sflag:$0x9], $0x2000, $0x38;
	[tilespmem:$0x10A00] =	vst v63  }
0xa4: {  	_ =	swait.ge [sflag:s23], $0x2000  }
0xa5: {  	[sflag:s23] =	ssyncset.done $0x0  }
0xa6: {  	s24 =	simm.s32 $0x3;
	s25 =	rddreg [dreg:$0x7];
	[sflag:s23] =	ssyncadd.s32 $0xFFFFE000  }
0xa7: {  	[hbm4b:s25+s1] =	stream.linear.scatter [tilespmem:s9], [sflag:$0x9], $0x2000, $0x38;
	[tilespmem:$0x10A00] =	vst v63  }
0xa8: {  	_ =	swait.ge [sflag:s24], $0x2000  }
0xa9: {  	[sflag:s24] =	ssyncset.done $0x0  }
0xaa: {  	s4 =	ssub.s32 $0x2, s20;
	s26 =	rddreg [dreg:$0x8];
	[sflag:s24] =	ssyncadd.s32 $0xFFFFE000  }
0xab: {  	[hbm4b:s26+s1] =	stream.linear.scatter [tilespmem:s10], [sflag:$0x9], $0x2000, $0x38;
	[tilespmem:$0x10A00] =	vst v63  }
0xac: {  	s26 =	sshrl.u32 s4, $0x1  }
0xad: {  	s0 =	ssub.s32 s4, s26  }
0xae: {  	s25 =	simm.s32 $0x4;
	s0 =	smax.u32 s0, $0x1  }
0xaf: {  	_ =	swait.ge [sflag:s25], $0x2000;
	s31 =	sadd.s32 $0xFFFFFFFF, s0  }
0xb0: {  	s29 =	simm.s32 $0x5;
	[sflag:s25] =	ssyncset.done $0x0;
	p1 =	sne.s32 s31, $0x0  }
.Ltmp0:
0xb1: {  	s11 =	rddreg [dreg:$0x9];
	[sflag:s25] =	ssyncadd.s32 $0xFFFFE000;
	(pc) =	sbr.rel @!p1 .LBB2_2-.Ltmp0, $4  }
0xb2: {  	[hbm4b:s11+s1] =	stream.linear.scatter [tilespmem:s12], [sflag:$0x9], $0x2000, $0x38;
	[tilespmem:$0x10A00] =	vst v63  }
0xb3: {  	s30 =	simm.s32 $0x6;
	_ =	swait.ge [sflag:s29], $0x2000  }
0xb4: {  	s28 =	simm.s32 $0x7;
	s20 =	simm.s32 $0x9;
	[sflag:s29] =	ssyncset.done $0x0  }
0xb5: {  	s26 =	simm.s32 $0x8;
	s0 =	rddreg [dreg:$0xa];
	[sflag:s29] =	ssyncadd.s32 $0xFFFFE000  }
.LBB2_1:
0xb6: {  	[hbm4b:s0+s1] =	stream.linear.scatter [tilespmem:s13], [sflag:$0x9], $0x2000, $0x38;
	[tilespmem:$0x10A00] =	vst v63  }
0xb7: {  	_ =	swait.ge [sflag:s30], $0x2000  }
0xb8: {  	[sflag:s30] =	ssyncset.done $0x0  }
0xb9: {  	s4 =	rddreg [dreg:$0xb];
	[sflag:s30] =	ssyncadd.s32 $0xFFFFE000  }
0xba: {  	[hbm4b:s4+s1] =	stream.linear.scatter [tilespmem:s15], [sflag:$0x9], $0x2000, $0x38;
	[tilespmem:$0x10A00] =	vst v63  }
0xbb: {  	_ =	swait.ge [sflag:s28], $0x2000  }
0xbc: {  	[sflag:s28] =	ssyncset.done $0x0  }
0xbd: {  	s11 =	rddreg [dreg:$0xc];
	[sflag:s28] =	ssyncadd.s32 $0xFFFFE000  }
0xbe: {  	[hbm4b:s11+s1] =	stream.linear.scatter [tilespmem:s17], [sflag:$0x9], $0x2000, $0x38;
	[tilespmem:$0x10A00] =	vst v63  }
0xbf: {  	_ =	swait.ge [sflag:s26], $0x2000  }
0xc0: {  	[sflag:s26] =	ssyncset.done $0x0  }
0xc1: {  	s4 =	rddreg [dreg:$0xd];
	[sflag:s26] =	ssyncadd.s32 $0xFFFFE000  }
0xc2: {  	[hbm4b:s4+s1] =	stream.linear.scatter [tilespmem:s19], [sflag:$0x9], $0x2000, $0x38;
	[tilespmem:$0x10A00] =	vst v63  }
0xc3: {  	_ =	swait.ge [sflag:s20], $0x2000  }
0xc4: {  	[sflag:s20] =	ssyncset.done $0x0  }
0xc5: {  	[sflag:s20] =	ssyncadd.s32 $0xFFFFE000  }
0xc6: {  	_ =	swait.ge [sflag:s20], $0x2000  }
0xc7: {  	[sflag:s20] =	ssyncset.done $0x0  }
0xc8: {  	[sflag:s20] =	ssyncadd.s32 $0xFFFFE000  }
0xc9: {  	_ =	swait.ge [sflag:s20], $0x2000  }
0xca: {  	[sflag:s20] =	ssyncset.done $0x0  }
0xcb: {  	[sflag:s20] =	ssyncadd.s32 $0xFFFFE000  }
0xcc: {  	_ =	swait.ge [sflag:s20], $0x2000  }
0xcd: {  	[sflag:s20] =	ssyncset.done $0x0  }
0xce: {  	[sflag:s20] =	ssyncadd.s32 $0xFFFFE000  }
0xcf: {  	_ =	swait.ge [sflag:s20], $0x2000  }
0xd0: {  	[sflag:s20] =	ssyncset.done $0x0  }
0xd1: {  	[sflag:s20] =	ssyncadd.s32 $0xFFFFE000  }
0xd2: {  	_ =	swait.ge [sflag:s20], $0x2000  }
0xd3: {  	[sflag:s20] =	ssyncset.done $0x0  }
0xd4: {  	[sflag:s20] =	ssyncadd.s32 $0xFFFFE000  }
0xd5: {  	_ =	swait.ge [sflag:s20], $0x2000  }
0xd6: {  	[sflag:s20] =	ssyncset.done $0x0  }
0xd7: {  	[sflag:s20] =	ssyncadd.s32 $0xFFFFE000  }
0xd8: {  	_ =	swait.ge [sflag:s20], $0x2000  }
0xd9: {  	s0 =	rddreg [dreg:$0x5];
	[sflag:s20] =	ssyncset.done $0x0  }
0xda: {  	s4 =	rddreg [dreg:$0x6];
	[sflag:s20] =	ssyncadd.s32 $0xFFFFE000  }
0xdb: {  	[tilespmem:s1], [sflag:$0xA] =	stream.linear.gather [hbm4b:s4+s1], $0x200, $0x38;
	[tilespmem:$0x10A00] =	vst v63  }
0xdc: {  	s11 =	rddreg [dreg:$0xe];
	s4 =	simm.s32 @!p0 $0x1C0B  }
0xdd: {  	[spmem:s11], [sflag:s4] =	dma.local @!p0 [hbm:s0], $0x800  }
0xde: {  	_ =	swait.ge @!p0 [sflag:s5], $0x800  }
0xdf: {  	[sflag:s5] =	ssyncset.done @!p0 $0x0  }
0xe0: {  	[sflag:s5] =	ssyncadd.s32 @!p0 $0xFFFFF800  }
0xe1: {  	[bflag:$0x0] =	sbarrier.arrive $0xFFFF  }
0xe2: {  	_ =	swait.ge [sflag:s6], $0x200  }
0xe3: {  	[sflag:s6] =	ssyncset.done $0x0  }
0xe4: {  	[sflag:s6] =	ssyncadd.s32 $0xFFFFFE00  }
0xe5: {  	v1 =	vld [tilespmem:$0x0]  }
0xe6: {  	v2 =	vld [tilespmem:$0x10]  }
0xe7: {  	v3 =	vld [tilespmem:$0x30]  }
0xe8: {  	v4 =	vld [tilespmem:$0x20];
	_ =	sdelay $0x2  }
0xe9: {  	v2 =	vcvt.s32.f32 v2  }
0xea: {  	v1 =	vcvt.s32.f32 v1;
	v3 =	vcvt.s32.f32 v3  }
0xeb: {  	v4 =	vcvt.s32.f32 v4;
	v2 =	vmul.f32 v2, v0  }
0xec: {  	v1 =	vmul.f32 v1, v0;
	v3 =	vmul.f32 v3, v0  }
0xed: {  	v4 =	vmul.f32 v4, v0;
	v2 =	vtrunc.f32 v2  }
0xee: {  	v1 =	vtrunc.f32 v1;
	v2 =	vcvt.f32.s32 v2  }
0xef: {  	v3 =	vtrunc.f32 v3;
	v1 =	vcvt.f32.s32 v1  }
0xf0: {  	v4 =	vtrunc.f32 v4;
	v3 =	vcvt.f32.s32 v3;
	[tilespmem:$0x210] =	vst v2  }
0xf1: {  	v2 =	vcvt.f32.s32 v4;
	[tilespmem:$0x200] =	vst v1  }
0xf2: {  	[tilespmem:$0x230] =	vst v3  }
0xf3: {  	s11 =	rddreg [dreg:$0xf];
	[tilespmem:$0x220] =	vst v2  }
0xf4: {  	[tilespmem:s8], [sflag:$0x1] =	stream.indirect.gather [spmem:s2], $0x80, s11, s7, $0xb8;
	[tilespmem:$0x10A00] =	vst v63  }
0xf5: {  	v1 =	vld [tilespmem:$0x40]  }
0xf6: {  	v2 =	vld [tilespmem:$0x50]  }
0xf7: {  	v3 =	vld [tilespmem:$0x60]  }
0xf8: {  	v57 =	vld [tilespmem:$0x70];
	_ =	sdelay $0x2  }
0xf9: {  	v2 =	vcvt.s32.f32 v2  }
0xfa: {  	v1 =	vcvt.s32.f32 v1;
	v3 =	vcvt.s32.f32 v3  }
0xfb: {  	v4 =	vcvt.s32.f32 v57;
	v2 =	vmul.f32 v2, v0  }
0xfc: {  	v1 =	vmul.f32 v1, v0;
	v3 =	vmul.f32 v3, v0  }
0xfd: {  	v4 =	vmul.f32 v4, v0;
	v2 =	vtrunc.f32 v2  }
0xfe: {  	v3 =	vtrunc.f32 v3;
	v2 =	vcvt.f32.s32 v2  }
0xff: {  	v1 =	vtrunc.f32 v1;
	v3 =	vcvt.f32.s32 v3  }
0x100: {  	v4 =	vtrunc.f32 v4;
	v1 =	vcvt.f32.s32 v1;
	[tilespmem:$0x290] =	vst v2  }
0x101: {  	v2 =	vcvt.f32.s32 v4;
	[tilespmem:$0x2A0] =	vst v3  }
0x102: {  	[tilespmem:$0x280] =	vst v1  }
0x103: {  	s4 =	rddreg [dreg:$0x10];
	[tilespmem:$0x2B0] =	vst v2  }
0x104: {  	[tilespmem:s9], [sflag:$0x2] =	stream.indirect.gather [spmem:s2], $0x80, s4, s7, $0xb8;
	[tilespmem:$0x10A00] =	vst v63  }
0x105: {  	v1 =	vld [tilespmem:$0x80]  }
0x106: {  	v3 =	vld [tilespmem:$0xA0]  }
0x107: {  	v2 =	vld [tilespmem:$0x90]  }
0x108: {  	v58 =	vld [tilespmem:$0xB0];
	_ =	sdelay $0x2  }
0x109: {  	v3 =	vcvt.s32.f32 v3  }
0x10a: {  	v1 =	vcvt.s32.f32 v1;
	v2 =	vcvt.s32.f32 v2  }
0x10b: {  	v4 =	vcvt.s32.f32 v58;
	v3 =	vmul.f32 v3, v0  }
0x10c: {  	v1 =	vmul.f32 v1, v0;
	v2 =	vmul.f32 v2, v0  }
0x10d: {  	v4 =	vmul.f32 v4, v0;
	v3 =	vtrunc.f32 v3  }
0x10e: {  	v2 =	vtrunc.f32 v2;
	v3 =	vcvt.f32.s32 v3  }
0x10f: {  	v1 =	vtrunc.f32 v1;
	v2 =	vcvt.f32.s32 v2  }
0x110: {  	v4 =	vtrunc.f32 v4;
	v1 =	vcvt.f32.s32 v1;
	[tilespmem:$0x320] =	vst v3  }
0x111: {  	v3 =	vcvt.f32.s32 v4;
	[tilespmem:$0x310] =	vst v2  }
0x112: {  	[tilespmem:$0x300] =	vst v1  }
0x113: {  	s11 =	rddreg [dreg:$0x11];
	[tilespmem:$0x330] =	vst v3  }
0x114: {  	[tilespmem:s10], [sflag:$0x3] =	stream.indirect.gather [spmem:s2], $0x80, s11, s7, $0xb8;
	[tilespmem:$0x10A00] =	vst v63  }
0x115: {  	v1 =	vld [tilespmem:$0xC0]  }
0x116: {  	v2 =	vld [tilespmem:$0xD0]  }
0x117: {  	v3 =	vld [tilespmem:$0xE0]  }
0x118: {  	v59 =	vld [tilespmem:$0xF0];
	_ =	sdelay $0x2  }
0x119: {  	v2 =	vcvt.s32.f32 v2  }
0x11a: {  	v1 =	vcvt.s32.f32 v1;
	v3 =	vcvt.s32.f32 v3  }
0x11b: {  	v4 =	vcvt.s32.f32 v59;
	v2 =	vmul.f32 v2, v0  }
0x11c: {  	v1 =	vmul.f32 v1, v0;
	v3 =	vmul.f32 v3, v0  }
0x11d: {  	v4 =	vmul.f32 v4, v0;
	v2 =	vtrunc.f32 v2  }
0x11e: {  	v1 =	vtrunc.f32 v1;
	v2 =	vcvt.f32.s32 v2  }
0x11f: {  	v3 =	vtrunc.f32 v3;
	v1 =	vcvt.f32.s32 v1  }
0x120: {  	v4 =	vtrunc.f32 v4;
	v3 =	vcvt.f32.s32 v3;
	[tilespmem:$0x390] =	vst v2  }
0x121: {  	v2 =	vcvt.f32.s32 v4;
	[tilespmem:$0x380] =	vst v1  }
0x122: {  	[tilespmem:$0x3A0] =	vst v3  }
0x123: {  	s4 =	simm.s32 $0x380;
	[tilespmem:$0x3B0] =	vst v2  }
0x124: {  	[tilespmem:s12], [sflag:$0x4] =	stream.indirect.gather [spmem:s2], $0x80, s4, s7, $0xb8;
	[tilespmem:$0x10A00] =	vst v63  }
0x125: {  	v1 =	vld [tilespmem:$0x100]  }
0x126: {  	v2 =	vld [tilespmem:$0x110]  }
0x127: {  	v3 =	vld [tilespmem:$0x120]  }
0x128: {  	v60 =	vld [tilespmem:$0x130];
	_ =	sdelay $0x2  }
0x129: {  	v2 =	vcvt.s32.f32 v2  }
0x12a: {  	v1 =	vcvt.s32.f32 v1;
	v3 =	vcvt.s32.f32 v3  }
0x12b: {  	v4 =	vcvt.s32.f32 v60;
	v2 =	vmul.f32 v2, v0  }
0x12c: {  	v1 =	vmul.f32 v1, v0;
	v3 =	vmul.f32 v3, v0  }
0x12d: {  	v4 =	vmul.f32 v4, v0;
	v2 =	vtrunc.f32 v2  }
0x12e: {  	v1 =	vtrunc.f32 v1;
	v2 =	vcvt.f32.s32 v2  }
0x12f: {  	v3 =	vtrunc.f32 v3;
	v1 =	vcvt.f32.s32 v1  }
0x130: {  	v3 =	vcvt.f32.s32 v3;
	[tilespmem:$0x410] =	vst v2;
	v2 =	vtrunc.f32 v4  }
0x131: {  	[tilespmem:$0x400] =	vst v1;
	v1 =	vcvt.f32.s32 v2  }
0x132: {  	[tilespmem:$0x420] =	vst v3  }
0x133: {  	[tilespmem:$0x430] =	vst v1  }
0x134: {  	[tilespmem:s13], [sflag:$0x5] =	stream.indirect.gather [spmem:s2], $0x80, s14, s7, $0xb8;
	[tilespmem:$0x10A00] =	vst v63  }
0x135: {  	v2 =	vld [tilespmem:$0x150]  }
0x136: {  	v1 =	vld [tilespmem:$0x140]  }
0x137: {  	v3 =	vld [tilespmem:$0x160]  }
0x138: {  	v61 =	vld [tilespmem:$0x170];
	_ =	sdelay $0x1  }
0x139: {  	v2 =	vcvt.s32.f32 v2  }
0x13a: {  	v1 =	vcvt.s32.f32 v1  }
0x13b: {  	v3 =	vcvt.s32.f32 v3;
	v2 =	vmul.f32 v2, v0  }
0x13c: {  	v4 =	vcvt.s32.f32 v61;
	v1 =	vmul.f32 v1, v0  }
0x13d: {  	v3 =	vmul.f32 v3, v0;
	v2 =	vtrunc.f32 v2  }
0x13e: {  	v1 =	vtrunc.f32 v1;
	v2 =	vcvt.f32.s32 v2  }
0x13f: {  	v3 =	vtrunc.f32 v3;
	v1 =	vcvt.f32.s32 v1  }
0x140: {  	[tilespmem:$0x490] =	vst v2;
	v2 =	vcvt.f32.s32 v3;
	v3 =	vmul.f32 v4, v0;
	_ =	sdelay $0x1  }
0x141: {  	[tilespmem:$0x480] =	vst v1;
	v1 =	vtrunc.f32 v3  }
0x142: {  	v1 =	vcvt.f32.s32 v1  }
0x143: {  	[tilespmem:$0x4A0] =	vst v2  }
0x144: {  	[tilespmem:$0x4B0] =	vst v1  }
0x145: {  	[tilespmem:s15], [sflag:$0x6] =	stream.indirect.gather [spmem:s2], $0x80, s16, s7, $0xb8;
	[tilespmem:$0x10A00] =	vst v63  }
0x146: {  	v1 =	vld [tilespmem:$0x180]  }
0x147: {  	v2 =	vld [tilespmem:$0x190]  }
0x148: {  	v3 =	vld [tilespmem:$0x1B0]  }
0x149: {  	v62 =	vld [tilespmem:$0x1A0];
	_ =	sdelay $0x2  }
0x14a: {  	v2 =	vcvt.s32.f32 v2  }
0x14b: {  	v1 =	vcvt.s32.f32 v1;
	v3 =	vcvt.s32.f32 v3  }
0x14c: {  	v4 =	vcvt.s32.f32 v62;
	v2 =	vmul.f32 v2, v0  }
0x14d: {  	v1 =	vmul.f32 v1, v0;
	v3 =	vmul.f32 v3, v0  }
0x14e: {  	v4 =	vmul.f32 v4, v0;
	v2 =	vtrunc.f32 v2  }
0x14f: {  	v3 =	vtrunc.f32 v3;
	v2 =	vcvt.f32.s32 v2  }
0x150: {  	v1 =	vtrunc.f32 v1;
	v3 =	vcvt.f32.s32 v3  }
0x151: {  	v4 =	vtrunc.f32 v4;
	v1 =	vcvt.f32.s32 v1;
	[tilespmem:$0x510] =	vst v2  }
0x152: {  	v2 =	vcvt.f32.s32 v4;
	[tilespmem:$0x530] =	vst v3  }
0x153: {  	[tilespmem:$0x500] =	vst v1  }
0x154: {  	[tilespmem:$0x520] =	vst v2  }
0x155: {  	[tilespmem:s17], [sflag:$0x7] =	stream.indirect.gather [spmem:s2], $0x80, s18, s7, $0xb8;
	[tilespmem:$0x10A00] =	vst v63  }
0x156: {  	v1 =	vld [tilespmem:$0x1C0]  }
0x157: {  	v2 =	vld [tilespmem:$0x1D0]  }
0x158: {  	v3 =	vld [tilespmem:$0x1E0]  }
0x159: {  	v63 =	vld [tilespmem:$0x1F0];
	_ =	sdelay $0x2  }
0x15a: {  	v2 =	vcvt.s32.f32 v2  }
0x15b: {  	v1 =	vcvt.s32.f32 v1;
	v3 =	vcvt.s32.f32 v3  }
0x15c: {  	v4 =	vcvt.s32.f32 v63;
	v2 =	vmul.f32 v2, v0  }
0x15d: {  	v1 =	vmul.f32 v1, v0;
	v3 =	vmul.f32 v3, v0  }
0x15e: {  	v4 =	vmul.f32 v4, v0;
	v2 =	vtrunc.f32 v2  }
0x15f: {  	v3 =	vtrunc.f32 v3;
	v2 =	vcvt.f32.s32 v2  }
0x160: {  	v1 =	vtrunc.f32 v1;
	v3 =	vcvt.f32.s32 v3  }
0x161: {  	v4 =	vtrunc.f32 v4;
	v1 =	vcvt.f32.s32 v1;
	[tilespmem:$0x590] =	vst v2  }
0x162: {  	v2 =	vcvt.f32.s32 v4;
	[tilespmem:$0x5A0] =	vst v3  }
0x163: {  	[tilespmem:$0x580] =	vst v1  }
0x164: {  	[tilespmem:$0x5B0] =	vst v2  }
0x165: {  	[tilespmem:s19], [sflag:$0x8] =	stream.indirect.gather [spmem:s2], $0x80, s21, s7, $0xb8;
	[tilespmem:$0x10A00] =	vst v63  }
0x166: {  	_ =	swait.ge [sflag:s22], $0x2000  }
0x167: {  	[sflag:s22] =	ssyncset.done $0x0  }
0x168: {  	[sflag:s22] =	ssyncadd.s32 $0xFFFFE000  }
0x169: {  	[hbm4b:s3+s1] =	stream.linear.scatter [tilespmem:s8], [sflag:$0x9], $0x2000, $0x38;
	[tilespmem:$0x10A00] =	vst v63  }
0x16a: {  	_ =	swait.ge [sflag:s23], $0x2000  }
0x16b: {  	[sflag:s23] =	ssyncset.done $0x0  }
0x16c: {  	s11 =	rddreg [dreg:$0x7];
	[sflag:s23] =	ssyncadd.s32 $0xFFFFE000  }
0x16d: {  	[hbm4b:s11+s1] =	stream.linear.scatter [tilespmem:s9], [sflag:$0x9], $0x2000, $0x38;
	[tilespmem:$0x10A00] =	vst v63  }
0x16e: {  	_ =	swait.ge [sflag:s24], $0x2000  }
0x16f: {  	[sflag:s24] =	ssyncset.done $0x0  }
0x170: {  	s4 =	rddreg [dreg:$0x8];
	[sflag:s24] =	ssyncadd.s32 $0xFFFFE000  }
0x171: {  	[hbm4b:s4+s1] =	stream.linear.scatter [tilespmem:s10], [sflag:$0x9], $0x2000, $0x38;
	[tilespmem:$0x10A00] =	vst v63  }
0x172: {  	s31 =	sadd.s32 $0xFFFFFFFF, s31;
	_ =	swait.ge [sflag:s25], $0x2000  }
0x173: {  	p1 =	sne.s32 s31, $0x0;
	[sflag:s25] =	ssyncset.done $0x0  }
.Ltmp1:
0x174: {  	s11 =	rddreg [dreg:$0x9];
	[sflag:s25] =	ssyncadd.s32 $0xFFFFE000;
	(pc) =	sbr.rel @p1 .LBB2_1-.Ltmp1, $4  }
0x175: {  	[hbm4b:s11+s1] =	stream.linear.scatter [tilespmem:s12], [sflag:$0x9], $0x2000, $0x38;
	[tilespmem:$0x10A00] =	vst v63  }
0x176: {  	_ =	swait.ge [sflag:s29], $0x2000  }
0x177: {  	[sflag:s29] =	ssyncset.done $0x0  }
0x178: {  	s0 =	rddreg [dreg:$0xa];
	[sflag:s29] =	ssyncadd.s32 $0xFFFFE000  }
.LBB2_2:
0x179: {  	[hbm4b:s0+s1] =	stream.linear.scatter [tilespmem:s13], [sflag:$0x9], $0x2000, $0x38;
	[tilespmem:$0x10A00] =	vst v63  }
0x17a: {  	_ =	swait.ge [sflag:s30], $0x2000  }
0x17b: {  	[sflag:s30] =	ssyncset.done $0x0  }
0x17c: {  	s29 =	rddreg [dreg:$0xb];
	[sflag:s30] =	ssyncadd.s32 $0xFFFFE000  }
0x17d: {  	[hbm4b:s29+s1] =	stream.linear.scatter [tilespmem:s15], [sflag:$0x9], $0x2000, $0x38;
	[tilespmem:$0x10A00] =	vst v63  }
0x17e: {  	_ =	swait.ge [sflag:s28], $0x2000  }
0x17f: {  	[sflag:s28] =	ssyncset.done $0x0  }
0x180: {  	s30 =	rddreg [dreg:$0xc];
	[sflag:s28] =	ssyncadd.s32 $0xFFFFE000  }
0x181: {  	[hbm4b:s30+s1] =	stream.linear.scatter [tilespmem:s17], [sflag:$0x9], $0x2000, $0x38;
	[tilespmem:$0x10A00] =	vst v63  }
0x182: {  	_ =	swait.ge [sflag:s26], $0x2000  }
0x183: {  	[sflag:s26] =	ssyncset.done $0x0  }
0x184: {  	s31 =	rddreg [dreg:$0xd];
	[sflag:s26] =	ssyncadd.s32 $0xFFFFE000  }
0x185: {  	[hbm4b:s31+s1] =	stream.linear.scatter [tilespmem:s19], [sflag:$0x9], $0x2000, $0x38;
	[tilespmem:$0x10A00] =	vst v63  }
0x186: {  	_ =	swait.ge [sflag:s20], $0x2000  }
0x187: {  	[sflag:s20] =	ssyncset.done $0x0  }
0x188: {  	[sflag:s20] =	ssyncadd.s32 $0xFFFFE000  }
0x189: {  	_ =	swait.ge [sflag:s20], $0x2000  }
0x18a: {  	[sflag:s20] =	ssyncset.done $0x0  }
0x18b: {  	[sflag:s20] =	ssyncadd.s32 $0xFFFFE000  }
0x18c: {  	_ =	swait.ge [sflag:s20], $0x2000  }
0x18d: {  	[sflag:s20] =	ssyncset.done $0x0  }
0x18e: {  	[sflag:s20] =	ssyncadd.s32 $0xFFFFE000  }
0x18f: {  	_ =	swait.ge [sflag:s20], $0x2000  }
0x190: {  	[sflag:s20] =	ssyncset.done $0x0  }
0x191: {  	[sflag:s20] =	ssyncadd.s32 $0xFFFFE000  }
0x192: {  	_ =	swait.ge [sflag:s20], $0x2000  }
0x193: {  	[sflag:s20] =	ssyncset.done $0x0  }
0x194: {  	[sflag:s20] =	ssyncadd.s32 $0xFFFFE000  }
0x195: {  	_ =	swait.ge [sflag:s20], $0x2000  }
0x196: {  	[sflag:s20] =	ssyncset.done $0x0  }
0x197: {  	[sflag:s20] =	ssyncadd.s32 $0xFFFFE000  }
0x198: {  	_ =	swait.ge [sflag:s20], $0x2000  }
0x199: {  	[sflag:s20] =	ssyncset.done $0x0  }
0x19a: {  	[sflag:s20] =	ssyncadd.s32 $0xFFFFE000  }
0x19b: {  	_ =	swait.ge [sflag:s20], $0x2000  }
0x19c: {  	[sflag:s20] =	ssyncset.done $0x0  }
0x19d: {  	[sflag:s20] =	ssyncadd.s32 $0xFFFFE000  }
0x19e: {  	_ =	sfence.sel $0x180000  }
0x19f: {  	[bflag:$0x0] =	sbarrier.arrive $0xFFFF  }
0x1a0: {  	_ =	strace $0x90000047  }
0x1a1: {  	[bflag:$0x2] =	sbarrier.arrive $0xFFFF  }
0x1a2: {  	s0 =	rddreg [dreg:$0x4]  }
0x1a3: {  	s0 =	sadd.s32 @!p0 $0x100000, s0  }
0x1a4: {  	[sflag:s0] =	ssyncadd.tile.s32 @!p0 $0x1;
	_ =	shalt  }
.Lfunc_end2:
_tile_overlayer_lowered:
.L_overlay_start_2:
0x1a5: {  	(tag) =	ssettag $0x2  }
0x1a6: {  	s0 =	rddreg [dreg:$0x0];
	s2 =	stileid.u32  }
0x1a7: {  	s1 =	rddreg [dreg:$0x1];
	p0 =	sne.s32 s2, $0x0  }
0x1a8: {  	s3 =	rddreg [dreg:$0x2];
	[bflag:$0x3] =	sbarrier.arrive $0xFFFF;
	s2 =	simm.s32 @!p0 $0x1C0B  }
0x1a9: {  	[timem:s3], [sflag:s2] =	dma.local @!p0 [hbm:s0], s1  }
0x1aa: {  	s0 =	simm.s32 @!p0 $0xB  }
0x1ab: {  	_ =	swait.ge @!p0 [sflag:s0], s1  }
0x1ac: {  	s1 =	ssub.s32 @!p0 $0x0, s1;
	[sflag:s0] =	ssyncset.done @!p0 $0x0  }
0x1ad: {  	[sflag:s0] =	ssyncadd.s32 @!p0 s1  }
0x1ae: {  	[bflag:$0x3] =	sbarrier.arrive $0xFFFF  }
0x1af: {  	_ =	shalt  }

</sc_bundles>
